<compile_context>
chip_gen: v7x
topology: tpu7x:2x2x1
jax: 0.10.2.dev20260603
libtpu: 0.0.44.dev20260713+nightly
codegen_flags: <defaults>
</compile_context>

<pallas_src>
import functools
import jax
import jax.numpy as jnp
from jax import lax
from jax.experimental import pallas as pl
from jax.experimental.pallas import tpu as pltpu
from jax.experimental.pallas import tpu_sc as plsc

N = 10000
E = 320000
LW = 16
GW = 192
ROW = 128
NWORK = 32
EPW = E // NWORK
CH = 80
NCH = EPW // CH
RPS = 632
TILE = 1000


def _tc1_body(x_ref, w_ref, b_ref, ba_ref, bb_ref, ta_ref, tb_ref):
    h0 = jax.nn.sigmoid(
        jnp.dot(x_ref[...], w_ref[...], preferred_element_type=jnp.float32)
        + b_ref[...])
    ta_ref[...] = jnp.dot(h0, ba_ref[...], preferred_element_type=jnp.float32)
    tb_ref[...] = jnp.dot(h0, bb_ref[...], preferred_element_type=jnp.float32)


def _tc2_body(pa_ref, pb_ref, ta_ref, tb_ref, c_ref, o_ref):
    pa = pa_ref[0] + pa_ref[1]
    pb = pb_ref[0] + pb_ref[1]
    z = ta_ref[:, 0:LW] + ta_ref[:, LW:2 * LW]
    exs = jnp.exp(jnp.maximum(z, 0.2 * z))
    st = pa[:, 0:LW] + exs
    q = jnp.concatenate([pa[:, 32:ROW], pb[:, 32:ROW]], axis=1)
    g = jnp.concatenate([ta_ref[:, 32:ROW], tb_ref[:, 32:ROW]], axis=1)
    tot = jnp.zeros((TILE, 32), jnp.float32)
    for i in range(6):
        qi = q[:, 32 * i: 32 * (i + 1)] + exs[:, i:i + 1] * \
            g[:, 32 * i: 32 * (i + 1)]
        tot = tot + qi / (st[:, i:i + 1] + 1e-16)
    o_ref[...] = jax.nn.sigmoid(tot * (1.0 / 6.0) + c_ref[...])


def _sc_edges(tbla, tblb, srcidx, dstidx, zeros, out,
              src_v, dst_v, srow_v, arow_v, scr_v, acc_sh):
    cid = lax.axis_index("c")
    sid = lax.axis_index("s")
    wid = cid * 16 + sid
    r0 = sid * RPS
    base = wid * EPW
    last = N - 15 * RPS

    for p in range(2):
        tbl = tbla if p == 0 else tblb

        @pl.when(sid < 15)
        def _():
            pltpu.sync_copy(zeros.at[pl.ds(r0, RPS)],
                            acc_sh.at[pl.ds(r0, RPS)])

        @pl.when(sid == 15)
        def _():
            pltpu.sync_copy(zeros.at[pl.ds(15 * RPS, last)],
                            acc_sh.at[pl.ds(15 * RPS, last)])

        plsc.subcore_barrier()

        def chunk(j, carry):
            off = base + j * CH
            pltpu.sync_copy(srcidx.at[pl.ds(off, CH)], src_v)
            pltpu.sync_copy(dstidx.at[pl.ds(off, CH)], dst_v)
            pltpu.sync_copy(tbl.at[src_v], srow_v)
            pltpu.sync_copy(tbl.at[dst_v], arow_v)

            def edge(k, c2):
                a = srow_v[k, pl.ds(0, LW)]
                b = arow_v[k, pl.ds(LW, LW)]
                e = a + b
                ex = jnp.exp(jnp.maximum(e, 0.2 * e))
                scr_v[k, pl.ds(0, LW)] = ex
                scr_v[k, pl.ds(LW, LW)] = jnp.zeros((16,), jnp.float32)
                for h in range(6):
                    o = 32 + 16 * h
                    exi = jnp.full((16,), ex[3 * p + h // 2],
                                   dtype=jnp.float32)
                    scr_v[k, pl.ds(o, 16)] = exi * srow_v[k, pl.ds(o, 16)]
                return c2

            lax.fori_loop(0, CH, edge, 0)
            pltpu.sync_copy(scr_v, acc_sh.at[dst_v], add=True)
            return carry

        lax.fori_loop(0, NCH, chunk, 0)
        plsc.subcore_barrier()

        @pl.when(sid < 15)
        def _():
            pltpu.sync_copy(acc_sh.at[pl.ds(r0, RPS)],
                            out.at[p, cid, pl.ds(r0, RPS)])

        @pl.when(sid == 15)
        def _():
            pltpu.sync_copy(acc_sh.at[pl.ds(15 * RPS, last)],
                            out.at[p, cid, pl.ds(15 * RPS, last)])

        plsc.subcore_barrier()


def kernel(x, edge_index, supermask, Wx1, bx1, Wg, a_src, a_dst, bg, Wz1, bz1):
    f32 = jnp.float32
    vs = jnp.einsum('ikh,ik->hi', Wg, a_src)
    vd = jnp.einsum('ikh,ik->hi', Wg, a_dst)
    vs = jnp.pad(vs, ((0, 0), (0, LW - 6)))
    vd = jnp.pad(vd, ((0, 0), (0, LW - 6)))
    ut = jnp.einsum('ck,ikh->hic', Wz1, Wg).reshape(64, GW)
    ba = jnp.concatenate([vs, vd, ut[:, 0:96]], axis=1)
    bb = jnp.concatenate([vs, vd, ut[:, 96:192]], axis=1)
    cvec = (jnp.mean(bg, axis=0) @ Wz1.T + bz1).reshape(1, 32)

    grid = N // TILE
    tbla, tblb = pl.pallas_call(
        _tc1_body,
        grid=(grid,),
        in_specs=[
            pl.BlockSpec((TILE, 128), lambda i: (i, 0)),
            pl.BlockSpec((128, 64), lambda i: (0, 0)),
            pl.BlockSpec((1, 64), lambda i: (0, 0)),
            pl.BlockSpec((64, ROW), lambda i: (0, 0)),
            pl.BlockSpec((64, ROW), lambda i: (0, 0)),
        ],
        out_specs=[
            pl.BlockSpec((TILE, ROW), lambda i: (i, 0)),
            pl.BlockSpec((TILE, ROW), lambda i: (i, 0)),
        ],
        out_shape=[
            jax.ShapeDtypeStruct((N, ROW), f32),
            jax.ShapeDtypeStruct((N, ROW), f32),
        ],
    )(x, Wx1.T, bx1.reshape(1, 64), ba, bb)

    sc_call = functools.partial(
        pl.kernel,
        mesh=plsc.VectorSubcoreMesh(core_axis_name="c", subcore_axis_name="s"),
        out_type=jax.ShapeDtypeStruct((2, 2, N, ROW), f32),
        scratch_types=[
            pltpu.VMEM((CH,), jnp.int32),
            pltpu.VMEM((CH,), jnp.int32),
            pltpu.VMEM((CH, ROW), f32),
            pltpu.VMEM((CH, ROW), f32),
            pltpu.VMEM((CH, ROW), f32),
            pltpu.VMEM_SHARED((N, ROW), f32),
        ],
    )(_sc_edges)
    zeros = jnp.zeros((N, ROW), f32)
    scout = sc_call(tbla, tblb, edge_index[0], edge_index[1], zeros)

    out = pl.pallas_call(
        _tc2_body,
        grid=(grid,),
        in_specs=[
            pl.BlockSpec((2, TILE, ROW), lambda i: (0, i, 0)),
            pl.BlockSpec((2, TILE, ROW), lambda i: (0, i, 0)),
            pl.BlockSpec((TILE, ROW), lambda i: (i, 0)),
            pl.BlockSpec((TILE, ROW), lambda i: (i, 0)),
            pl.BlockSpec((1, 32), lambda i: (0, 0)),
        ],
        out_specs=pl.BlockSpec((TILE, 32), lambda i: (i, 0)),
        out_shape=jax.ShapeDtypeStruct((N, 32), f32),
    )(scout[0], scout[1], tbla, tblb, cvec)
    return out

# --- scband reference (transcript-rebuilt; emitter-appended) ---
"""Pipeline reference for scband-super-net-8967891714119 (READ-ONLY COPY).

The authoritative reference and input builder live on the scoring server;
editing this copy changes nothing except your own understanding.
"""

import jax, jax.numpy as jnp
import numpy as np

N_NODES = 10000
N_EDGES = 320000
NFEAT = 128
NCLASS = 32
HID = 64


def setup_inputs(seed: int = 0) -> dict:
    key = jax.random.key(seed)
    ks = jax.random.split(key, 12)
    x = jax.random.normal(ks[0], (N_NODES, NFEAT), dtype=jnp.float32)
    edge_index = jax.random.randint(ks[1], (2, N_EDGES), 0, N_NODES, dtype=jnp.int32)
    supermask = jnp.ones((8,), dtype=jnp.int32)
    # learned parameters
    Wx1 = jax.random.normal(ks[2], (HID, NFEAT), dtype=jnp.float32) * 0.05
    bx1 = jnp.zeros((HID,), dtype=jnp.float32)
    Wg = jax.random.normal(ks[3], (6, HID, HID), dtype=jnp.float32) * 0.1
    a_src = jax.random.normal(ks[4], (6, HID), dtype=jnp.float32) * 0.1
    a_dst = jax.random.normal(ks[5], (6, HID), dtype=jnp.float32) * 0.1
    bg = jnp.zeros((6, HID), dtype=jnp.float32)
    Wz1 = jax.random.normal(ks[6], (NCLASS, HID), dtype=jnp.float32) * 0.05
    bz1 = jnp.zeros((NCLASS,), dtype=jnp.float32)
    return {"x": x, "edge_index": edge_index, "supermask": supermask,
            "Wx1": Wx1, "bx1": bx1, "Wg": Wg, "a_src": a_src, "a_dst": a_dst,
            "bg": bg, "Wz1": Wz1, "bz1": bz1}


def _gat_layer(x, src, dst, W, a_s, a_d, b, N):
    # standard single-head GAT conv (with self-loops already appended to src/dst)
    h = x @ W.T
    alpha_src = h @ a_s
    alpha_dst = h @ a_d
    e = jax.nn.leaky_relu(alpha_src[src] + alpha_dst[dst], negative_slope=0.2)
    m = jax.lax.stop_gradient(jax.ops.segment_max(e, dst, num_segments=N))
    ex = jnp.exp(e - m[dst])
    s = jax.ops.segment_sum(ex, dst, num_segments=N)
    alpha = ex / (s[dst] + 1e-16)
    out = jax.ops.segment_sum(alpha[:, None] * h[src], dst, num_segments=N)
    return out + b


def reference(x, edge_index, supermask, Wx1, bx1, Wg, a_src, a_dst, bg, Wz1, bz1):
    # Faithful evaluation of SuperNet.forward for supermask = [1,1,1,1,1,1,1,1]:
    #   x = sigmoid(x1(x));  l_i = GAT_i(x, edge_index) for i=1..6 (all take x as input
    #   since supermask[j] in {1} selects the raw x branch);  out = sigmoid(z1(mean(l_1..l_6)))
    N = x.shape[0]
    loop = jnp.arange(N, dtype=edge_index.dtype)
    src = jnp.concatenate([edge_index[0], loop])
    dst = jnp.concatenate([edge_index[1], loop])
    h0 = jax.nn.sigmoid(x @ Wx1.T + bx1)
    outs = [_gat_layer(h0, src, dst, Wg[i], a_src[i], a_dst[i], bg[i], N) for i in range(6)]
    xa = jnp.mean(jnp.stack(outs, axis=0), axis=0)
    return jax.nn.sigmoid(xa @ Wz1.T + bz1)

if __name__ == "__main__":
    import jax
    _d = setup_inputs()
    print(jax.jit(kernel)(*tuple(_d.values())))

</pallas_src>

<mosaic_0001>
#map = affine_map<(d0, d1) -> (0, 0)>
#map1 = affine_map<(d0, d1) -> (0)>
#map2 = affine_map<(d0, d1) -> (0, 0, 0, 0)>
module attributes {stable_mosaic.version = 14 : i64} {
  func.func @_sc_edges(%arg0: i32, %arg1: i32, %arg2: memref<10000x128xf32, #tpu.memory_space<hbm>>, %arg3: memref<10000x128xf32, #tpu.memory_space<hbm>>, %arg4: memref<320000xi32, #tpu.memory_space<hbm>>, %arg5: memref<320000xi32, #tpu.memory_space<hbm>>, %arg6: memref<10000x128xf32, #tpu.memory_space<hbm>>, %arg7: memref<2x2x10000x128xf32, #tpu.memory_space<hbm>>, %arg8: memref<80xi32, #tpu.memory_space<vmem>>, %arg9: memref<80xi32, #tpu.memory_space<vmem>>, %arg10: memref<80x128xf32, #tpu.memory_space<vmem>>, %arg11: memref<80x128xf32, #tpu.memory_space<vmem>>, %arg12: memref<80x128xf32, #tpu.memory_space<vmem>>, %arg13: memref<10000x128xf32, #tpu.memory_space<vmem_shared>>) attributes {dimension_semantics = [#tpu.dimension_semantics<core_parallel>, #tpu.dimension_semantics<subcore_parallel>], iteration_bounds = array<i64: 2, 16>, scalar_prefetch = 0 : i64, scratch_operands = 6 : i64, tpu.core_type = #tpu.core_type<sc_vector_subcore>, window_params = [{transform_indices = #map}, {transform_indices = #map}, {transform_indices = #map1}, {transform_indices = #map1}, {transform_indices = #map}, {transform_indices = #map2}]} {
    %mul3A = arith.constant 16 : i32
    %mul3A_0 = arith.muli %arg0, %mul3A : i32
    %add3A = arith.addi %mul3A_0, %arg1 : i32
    %mul3A_1 = arith.constant 632 : i32
    %mul3A_2 = arith.muli %arg1, %mul3A_1 : i32
    %mul3A_3 = arith.constant 10000 : i32
    %mul3A_4 = arith.muli %add3A, %mul3A_3 : i32
    %lt3A = arith.constant 15 : i32
    %lt3A_5 = arith.cmpi slt, %arg1, %lt3A : i32
    %convert_element_type3A = arith.extui %lt3A_5 : i1 to i32
    %cond3A = arith.constant 0 : i32
    %cond3A_6 = arith.cmpi ne, %convert_element_type3A, %cond3A : i32
    scf.if %cond3A_6 {
      "tpu.region"() ({
        %run_scoped3A = tpu.sem_alloc : memref<!tpu.dma_semaphore, #tpu.memory_space<semaphore_mem>>
        %dma_start3A = arith.constant 0 : i32
        %dma_start3A_57 = tpu.memref_slice %arg13[%mul3A_2, %dma_start3A] : memref<10000x128xf32, #tpu.memory_space<vmem_shared>> -> memref<632x128xf32, #tpu.memory_space<vmem_shared>>
        %dma_start3A_58 = arith.constant 0 : i32
        %dma_start3A_59 = tpu.memref_slice %arg6[%mul3A_2, %dma_start3A_58] : memref<10000x128xf32, #tpu.memory_space<hbm>> -> memref<632x128xf32, #tpu.memory_space<hbm>>
        tpu.enqueue_dma source(%dma_start3A_59 : memref<632x128xf32, #tpu.memory_space<hbm>>) target(%dma_start3A_57 : memref<632x128xf32, #tpu.memory_space<vmem_shared>>) target_semaphore(%run_scoped3A : memref<!tpu.dma_semaphore, #tpu.memory_space<semaphore_mem>>)
        %dma_wait3A = arith.constant 0 : i32
        %dma_wait3A_60 = tpu.memref_slice %arg13[%mul3A_2, %dma_wait3A] : memref<10000x128xf32, #tpu.memory_space<vmem_shared>> -> memref<632x128xf32, #tpu.memory_space<vmem_shared>>
        %dma_wait3A_61 = arith.constant 0 : i32
        %dma_wait3A_62 = tpu.memref_slice %arg6[%mul3A_2, %dma_wait3A_61] : memref<10000x128xf32, #tpu.memory_space<hbm>> -> memref<632x128xf32, #tpu.memory_space<hbm>>
        tpu.wait_dma2 semaphore(%run_scoped3A : memref<!tpu.dma_semaphore, #tpu.memory_space<semaphore_mem>>) src(%dma_wait3A_62 : memref<632x128xf32, #tpu.memory_space<hbm>>) dst(%dma_wait3A_60 : memref<632x128xf32, #tpu.memory_space<vmem_shared>>)
        tpu.yield
      }) : () -> ()
    } else {
    }
    %eq3A = arith.constant 15 : i32
    %eq3A_7 = arith.cmpi eq, %arg1, %eq3A : i32
    %convert_element_type3A_8 = arith.extui %eq3A_7 : i1 to i32
    %cond3A_9 = arith.constant 0 : i32
    %cond3A_10 = arith.cmpi ne, %convert_element_type3A_8, %cond3A_9 : i32
    scf.if %cond3A_10 {
      "tpu.region"() ({
        %run_scoped3A = tpu.sem_alloc : memref<!tpu.dma_semaphore, #tpu.memory_space<semaphore_mem>>
        %dma_start3A = arith.constant 9480 : i32
        %dma_start3A_57 = arith.constant 0 : i32
        %dma_start3A_58 = tpu.memref_slice %arg13[%dma_start3A, %dma_start3A_57] : memref<10000x128xf32, #tpu.memory_space<vmem_shared>> -> memref<520x128xf32, #tpu.memory_space<vmem_shared>>
        %dma_start3A_59 = arith.constant 9480 : i32
        %dma_start3A_60 = arith.constant 0 : i32
        %dma_start3A_61 = tpu.memref_slice %arg6[%dma_start3A_59, %dma_start3A_60] : memref<10000x128xf32, #tpu.memory_space<hbm>> -> memref<520x128xf32, #tpu.memory_space<hbm>>
        tpu.enqueue_dma source(%dma_start3A_61 : memref<520x128xf32, #tpu.memory_space<hbm>>) target(%dma_start3A_58 : memref<520x128xf32, #tpu.memory_space<vmem_shared>>) target_semaphore(%run_scoped3A : memref<!tpu.dma_semaphore, #tpu.memory_space<semaphore_mem>>)
        %dma_wait3A = arith.constant 9480 : i32
        %dma_wait3A_62 = arith.constant 0 : i32
        %dma_wait3A_63 = tpu.memref_slice %arg13[%dma_wait3A, %dma_wait3A_62] : memref<10000x128xf32, #tpu.memory_space<vmem_shared>> -> memref<520x128xf32, #tpu.memory_space<vmem_shared>>
        %dma_wait3A_64 = arith.constant 9480 : i32
        %dma_wait3A_65 = arith.constant 0 : i32
        %dma_wait3A_66 = tpu.memref_slice %arg6[%dma_wait3A_64, %dma_wait3A_65] : memref<10000x128xf32, #tpu.memory_space<hbm>> -> memref<520x128xf32, #tpu.memory_space<hbm>>
        tpu.wait_dma2 semaphore(%run_scoped3A : memref<!tpu.dma_semaphore, #tpu.memory_space<semaphore_mem>>) src(%dma_wait3A_66 : memref<520x128xf32, #tpu.memory_space<hbm>>) dst(%dma_wait3A_63 : memref<520x128xf32, #tpu.memory_space<vmem_shared>>)
        tpu.yield
      }) : () -> ()
    } else {
    }
    %barrier3A = arith.constant 0 : index
    tpu.barrier barrier_id(%barrier3A)
    %scan3A = arith.constant 0 : i32
    %scan3A_11 = arith.constant 0 : i32
    %scan3A_12 = arith.constant 125 : i32
    %scan3A_13 = arith.addi %scan3A_11, %scan3A_12 : i32
    %scan3A_14 = arith.constant 1 : i32
    scf.for %scan3A_57 = %scan3A_11 to %scan3A_13 step %scan3A_14  : i32 {
      %mul3A_58 = arith.constant 80 : i32
      %mul3A_59 = arith.muli %scan3A_57, %mul3A_58 : i32
      %add3A_60 = arith.addi %mul3A_4, %mul3A_59 : i32
      "tpu.region"() ({
        %run_scoped3A = tpu.sem_alloc : memref<!tpu.dma_semaphore, #tpu.memory_space<semaphore_mem>>
        %dma_start3A = tpu.memref_slice %arg4[%add3A_60] : memref<320000xi32, #tpu.memory_space<hbm>> -> memref<80xi32, #tpu.memory_space<hbm>>
        %dma_start3A_67 = tpu.memref_slice %arg4[%add3A_60] : memref<320000xi32, #tpu.memory_space<hbm>> -> memref<80xi32, #tpu.memory_space<hbm>>
        tpu.enqueue_dma source(%dma_start3A_67 : memref<80xi32, #tpu.memory_space<hbm>>) target(%arg8 : memref<80xi32, #tpu.memory_space<vmem>>) target_semaphore(%run_scoped3A : memref<!tpu.dma_semaphore, #tpu.memory_space<semaphore_mem>>)
        %dma_wait3A = tpu.memref_slice %arg4[%add3A_60] : memref<320000xi32, #tpu.memory_space<hbm>> -> memref<80xi32, #tpu.memory_space<hbm>>
        %dma_wait3A_68 = tpu.memref_slice %arg4[%add3A_60] : memref<320000xi32, #tpu.memory_space<hbm>> -> memref<80xi32, #tpu.memory_space<hbm>>
        tpu.wait_dma2 semaphore(%run_scoped3A : memref<!tpu.dma_semaphore, #tpu.memory_space<semaphore_mem>>) src(%dma_wait3A_68 : memref<80xi32, #tpu.memory_space<hbm>>) dst(%arg8 : memref<80xi32, #tpu.memory_space<vmem>>)
        tpu.yield
      }) : () -> ()
      "tpu.region"() ({
        %run_scoped3A = tpu.sem_alloc : memref<!tpu.dma_semaphore, #tpu.memory_space<semaphore_mem>>
        %dma_start3A = tpu.memref_slice %arg5[%add3A_60] : memref<320000xi32, #tpu.memory_space<hbm>> -> memref<80xi32, #tpu.memory_space<hbm>>
        %dma_start3A_67 = tpu.memref_slice %arg5[%add3A_60] : memref<320000xi32, #tpu.memory_space<hbm>> -> memref<80xi32, #tpu.memory_space<hbm>>
        tpu.enqueue_dma source(%dma_start3A_67 : memref<80xi32, #tpu.memory_space<hbm>>) target(%arg9 : memref<80xi32, #tpu.memory_space<vmem>>) target_semaphore(%run_scoped3A : memref<!tpu.dma_semaphore, #tpu.memory_space<semaphore_mem>>)
        %dma_wait3A = tpu.memref_slice %arg5[%add3A_60] : memref<320000xi32, #tpu.memory_space<hbm>> -> memref<80xi32, #tpu.memory_space<hbm>>
        %dma_wait3A_68 = tpu.memref_slice %arg5[%add3A_60] : memref<320000xi32, #tpu.memory_space<hbm>> -> memref<80xi32, #tpu.memory_space<hbm>>
        tpu.wait_dma2 semaphore(%run_scoped3A : memref<!tpu.dma_semaphore, #tpu.memory_space<semaphore_mem>>) src(%dma_wait3A_68 : memref<80xi32, #tpu.memory_space<hbm>>) dst(%arg9 : memref<80xi32, #tpu.memory_space<vmem>>)
        tpu.yield
      }) : () -> ()
      "tpu.region"() ({
        %run_scoped3A = tpu.sem_alloc : memref<!tpu.dma_semaphore, #tpu.memory_space<semaphore_mem>>
        %dma_start3A = arith.constant 0 : i32
        %dma_start3A_67 = arith.constant 0 : i32
        %dma_start3A_68 = tpu.memref_slice %arg2[%dma_start3A, %dma_start3A_67] : memref<10000x128xf32, #tpu.memory_space<hbm>> -> memref<10000x128xf32, #tpu.memory_space<hbm>>
        tpu.enqueue_indirect_dma source(%dma_start3A_68 : memref<10000x128xf32, #tpu.memory_space<hbm>>) target(%arg10 : memref<80x128xf32, #tpu.memory_space<vmem>>) offsets(%arg8 : memref<80xi32, #tpu.memory_space<vmem>>) semaphore(%run_scoped3A : memref<!tpu.dma_semaphore, #tpu.memory_space<semaphore_mem>>)
        %dma_wait3A = arith.constant 0 : i32
        %dma_wait3A_69 = arith.constant 0 : i32
        %dma_wait3A_70 = tpu.memref_slice %arg2[%dma_wait3A, %dma_wait3A_69] : memref<10000x128xf32, #tpu.memory_space<hbm>> -> memref<10000x128xf32, #tpu.memory_space<hbm>>
        tpu.wait_indirect_dma semaphore(%run_scoped3A : memref<!tpu.dma_semaphore, #tpu.memory_space<semaphore_mem>>) src(%dma_wait3A_70 : memref<10000x128xf32, #tpu.memory_space<hbm>>) dst(%arg10 : memref<80x128xf32, #tpu.memory_space<vmem>>)
        tpu.yield
      }) : () -> ()
      "tpu.region"() ({
        %run_scoped3A = tpu.sem_alloc : memref<!tpu.dma_semaphore, #tpu.memory_space<semaphore_mem>>
        %dma_start3A = arith.constant 0 : i32
        %dma_start3A_67 = arith.constant 0 : i32
        %dma_start3A_68 = tpu.memref_slice %arg2[%dma_start3A, %dma_start3A_67] : memref<10000x128xf32, #tpu.memory_space<hbm>> -> memref<10000x128xf32, #tpu.memory_space<hbm>>
        tpu.enqueue_indirect_dma source(%dma_start3A_68 : memref<10000x128xf32, #tpu.memory_space<hbm>>) target(%arg11 : memref<80x128xf32, #tpu.memory_space<vmem>>) offsets(%arg9 : memref<80xi32, #tpu.memory_space<vmem>>) semaphore(%run_scoped3A : memref<!tpu.dma_semaphore, #tpu.memory_space<semaphore_mem>>)
        %dma_wait3A = arith.constant 0 : i32
        %dma_wait3A_69 = arith.constant 0 : i32
        %dma_wait3A_70 = tpu.memref_slice %arg2[%dma_wait3A, %dma_wait3A_69] : memref<10000x128xf32, #tpu.memory_space<hbm>> -> memref<10000x128xf32, #tpu.memory_space<hbm>>
        tpu.wait_indirect_dma semaphore(%run_scoped3A : memref<!tpu.dma_semaphore, #tpu.memory_space<semaphore_mem>>) src(%dma_wait3A_70 : memref<10000x128xf32, #tpu.memory_space<hbm>>) dst(%arg11 : memref<80x128xf32, #tpu.memory_space<vmem>>)
        tpu.yield
      }) : () -> ()
      %scan3A_61 = arith.constant 0 : i32
      %scan3A_62 = arith.constant 0 : i32
      %scan3A_63 = arith.constant 80 : i32
      %scan3A_64 = arith.addi %scan3A_62, %scan3A_63 : i32
      %scan3A_65 = arith.constant 1 : i32
      scf.for %scan3A_67 = %scan3A_62 to %scan3A_64 step %scan3A_65  : i32 {
        %get3A = arith.index_cast %scan3A_67 : i32 to index
        %get3A_68 = arith.constant 0 : index
        %get3A_69 = tpu.vector_load %arg10[%get3A, %get3A_68] {strides = array<i32>} : memref<80x128xf32, #tpu.memory_space<vmem>>, vector<1x16xf32>,
        %get3A_70 = vector.shape_cast %get3A_69 : vector<1x16xf32> to vector<16xf32>
        %get3A_71 = arith.index_cast %scan3A_67 : i32 to index
        %get3A_72 = arith.constant 16 : index
        %get3A_73 = tpu.vector_load %arg11[%get3A_71, %get3A_72] {strides = array<i32>} : memref<80x128xf32, #tpu.memory_space<vmem>>, vector<1x16xf32>,
        %get3A_74 = vector.shape_cast %get3A_73 : vector<1x16xf32> to vector<16xf32>
        %add3A_75 = arith.addf %get3A_70, %get3A_74 : vector<16xf32>
        %mul3A_76 = arith.constant 2.000000e-01 : f32
        %mul3A_77 = vector.broadcast %mul3A_76 : f32 to vector<16xf32>
        %mul3A_78 = arith.mulf %mul3A_77, %add3A_75 : vector<16xf32>
        %max3A = arith.maximumf %add3A_75, %mul3A_78 : vector<16xf32>
        %exp3A = math.exp %max3A : vector<16xf32>
        %swap3A = arith.index_cast %scan3A_67 : i32 to index
        %swap3A_79 = arith.constant 0 : index
        %swap3A_80 = tpu.vector_load %arg12[%swap3A, %swap3A_79] {strides = array<i32>} : memref<80x128xf32, #tpu.memory_space<vmem>>, vector<1x16xf32>,
        %swap3A_81 = vector.shape_cast %swap3A_80 : vector<1x16xf32> to vector<16xf32>
        %swap3A_82 = vector.shape_cast %exp3A : vector<16xf32> to vector<1x16xf32>
        tpu.vector_store %arg12[%swap3A, %swap3A_79], %swap3A_82 {strides = array<i32>} : memref<80x128xf32, #tpu.memory_space<vmem>>, vector<1x16xf32>,
        %broadcast_in_dim3A = arith.constant 0.000000e+00 : f32
        %broadcast_in_dim3A_83 = vector.broadcast %broadcast_in_dim3A : f32 to vector<16xf32>
        %swap3A_84 = arith.index_cast %scan3A_67 : i32 to index
        %swap3A_85 = arith.constant 16 : index
        %swap3A_86 = tpu.vector_load %arg12[%swap3A_84, %swap3A_85] {strides = array<i32>} : memref<80x128xf32, #tpu.memory_space<vmem>>, vector<1x16xf32>,
        %swap3A_87 = vector.shape_cast %swap3A_86 : vector<1x16xf32> to vector<16xf32>
        %swap3A_88 = vector.shape_cast %broadcast_in_dim3A_83 : vector<16xf32> to vector<1x16xf32>
        tpu.vector_store %arg12[%swap3A_84, %swap3A_85], %swap3A_88 {strides = array<i32>} : memref<80x128xf32, #tpu.memory_space<vmem>>, vector<1x16xf32>,
        %slice3A = vector.extract_strided_slice %exp3A {offsets = [0], sizes = [1], strides = [1]} : vector<16xf32> to vector<1xf32>
        %squeeze3A = vector.extract %slice3A[0] : f32 from vector<1xf32>
        %broadcast_in_dim3A_89 = vector.broadcast %squeeze3A : f32 to vector<16xf32>
        %get3A_90 = arith.index_cast %scan3A_67 : i32 to index
        %get3A_91 = arith.constant 32 : index
        %get3A_92 = tpu.vector_load %arg10[%get3A_90, %get3A_91] {strides = array<i32>} : memref<80x128xf32, #tpu.memory_space<vmem>>, vector<1x16xf32>,
        %get3A_93 = vector.shape_cast %get3A_92 : vector<1x16xf32> to vector<16xf32>
        %mul3A_94 = arith.mulf %broadcast_in_dim3A_89, %get3A_93 : vector<16xf32>
        %swap3A_95 = arith.index_cast %scan3A_67 : i32 to index
        %swap3A_96 = arith.constant 32 : index
        %swap3A_97 = tpu.vector_load %arg12[%swap3A_95, %swap3A_96] {strides = array<i32>} : memref<80x128xf32, #tpu.memory_space<vmem>>, vector<1x16xf32>,
        %swap3A_98 = vector.shape_cast %swap3A_97 : vector<1x16xf32> to vector<16xf32>
        %swap3A_99 = vector.shape_cast %mul3A_94 : vector<16xf32> to vector<1x16xf32>
        tpu.vector_store %arg12[%swap3A_95, %swap3A_96], %swap3A_99 {strides = array<i32>} : memref<80x128xf32, #tpu.memory_space<vmem>>, vector<1x16xf32>,
        %slice3A_100 = vector.extract_strided_slice %exp3A {offsets = [0], sizes = [1], strides = [1]} : vector<16xf32> to vector<1xf32>
        %squeeze3A_101 = vector.extract %slice3A_100[0] : f32 from vector<1xf32>
        %broadcast_in_dim3A_102 = vector.broadcast %squeeze3A_101 : f32 to vector<16xf32>
        %get3A_103 = arith.index_cast %scan3A_67 : i32 to index
        %get3A_104 = arith.constant 48 : index
        %get3A_105 = tpu.vector_load %arg10[%get3A_103, %get3A_104] {strides = array<i32>} : memref<80x128xf32, #tpu.memory_space<vmem>>, vector<1x16xf32>,
        %get3A_106 = vector.shape_cast %get3A_105 : vector<1x16xf32> to vector<16xf32>
        %mul3A_107 = arith.mulf %broadcast_in_dim3A_102, %get3A_106 : vector<16xf32>
        %swap3A_108 = arith.index_cast %scan3A_67 : i32 to index
        %swap3A_109 = arith.constant 48 : index
        %swap3A_110 = tpu.vector_load %arg12[%swap3A_108, %swap3A_109] {strides = array<i32>} : memref<80x128xf32, #tpu.memory_space<vmem>>, vector<1x16xf32>,
        %swap3A_111 = vector.shape_cast %swap3A_110 : vector<1x16xf32> to vector<16xf32>
        %swap3A_112 = vector.shape_cast %mul3A_107 : vector<16xf32> to vector<1x16xf32>
        tpu.vector_store %arg12[%swap3A_108, %swap3A_109], %swap3A_112 {strides = array<i32>} : memref<80x128xf32, #tpu.memory_space<vmem>>, vector<1x16xf32>,
        %slice3A_113 = vector.extract_strided_slice %exp3A {offsets = [1], sizes = [1], strides = [1]} : vector<16xf32> to vector<1xf32>
        %squeeze3A_114 = vector.extract %slice3A_113[0] : f32 from vector<1xf32>
        %broadcast_in_dim3A_115 = vector.broadcast %squeeze3A_114 : f32 to vector<16xf32>
        %get3A_116 = arith.index_cast %scan3A_67 : i32 to index
        %get3A_117 = arith.constant 64 : index
        %get3A_118 = tpu.vector_load %arg10[%get3A_116, %get3A_117] {strides = array<i32>} : memref<80x128xf32, #tpu.memory_space<vmem>>, vector<1x16xf32>,
        %get3A_119 = vector.shape_cast %get3A_118 : vector<1x16xf32> to vector<16xf32>
        %mul3A_120 = arith.mulf %broadcast_in_dim3A_115, %get3A_119 : vector<16xf32>
        %swap3A_121 = arith.index_cast %scan3A_67 : i32 to index
        %swap3A_122 = arith.constant 64 : index
        %swap3A_123 = tpu.vector_load %arg12[%swap3A_121, %swap3A_122] {strides = array<i32>} : memref<80x128xf32, #tpu.memory_space<vmem>>, vector<1x16xf32>,
        %swap3A_124 = vector.shape_cast %swap3A_123 : vector<1x16xf32> to vector<16xf32>
        %swap3A_125 = vector.shape_cast %mul3A_120 : vector<16xf32> to vector<1x16xf32>
        tpu.vector_store %arg12[%swap3A_121, %swap3A_122], %swap3A_125 {strides = array<i32>} : memref<80x128xf32, #tpu.memory_space<vmem>>, vector<1x16xf32>,
        %slice3A_126 = vector.extract_strided_slice %exp3A {offsets = [1], sizes = [1], strides = [1]} : vector<16xf32> to vector<1xf32>
        %squeeze3A_127 = vector.extract %slice3A_126[0] : f32 from vector<1xf32>
        %broadcast_in_dim3A_128 = vector.broadcast %squeeze3A_127 : f32 to vector<16xf32>
        %get3A_129 = arith.index_cast %scan3A_67 : i32 to index
        %get3A_130 = arith.constant 80 : index
        %get3A_131 = tpu.vector_load %arg10[%get3A_129, %get3A_130] {strides = array<i32>} : memref<80x128xf32, #tpu.memory_space<vmem>>, vector<1x16xf32>,
        %get3A_132 = vector.shape_cast %get3A_131 : vector<1x16xf32> to vector<16xf32>
        %mul3A_133 = arith.mulf %broadcast_in_dim3A_128, %get3A_132 : vector<16xf32>
        %swap3A_134 = arith.index_cast %scan3A_67 : i32 to index
        %swap3A_135 = arith.constant 80 : index
        %swap3A_136 = tpu.vector_load %arg12[%swap3A_134, %swap3A_135] {strides = array<i32>} : memref<80x128xf32, #tpu.memory_space<vmem>>, vector<1x16xf32>,
        %swap3A_137 = vector.shape_cast %swap3A_136 : vector<1x16xf32> to vector<16xf32>
        %swap3A_138 = vector.shape_cast %mul3A_133 : vector<16xf32> to vector<1x16xf32>
        tpu.vector_store %arg12[%swap3A_134, %swap3A_135], %swap3A_138 {strides = array<i32>} : memref<80x128xf32, #tpu.memory_space<vmem>>, vector<1x16xf32>,
        %slice3A_139 = vector.extract_strided_slice %exp3A {offsets = [2], sizes = [1], strides = [1]} : vector<16xf32> to vector<1xf32>
        %squeeze3A_140 = vector.extract %slice3A_139[0] : f32 from vector<1xf32>
        %broadcast_in_dim3A_141 = vector.broadcast %squeeze3A_140 : f32 to vector<16xf32>
        %get3A_142 = arith.index_cast %scan3A_67 : i32 to index
        %get3A_143 = arith.constant 96 : index
        %get3A_144 = tpu.vector_load %arg10[%get3A_142, %get3A_143] {strides = array<i32>} : memref<80x128xf32, #tpu.memory_space<vmem>>, vector<1x16xf32>,
        %get3A_145 = vector.shape_cast %get3A_144 : vector<1x16xf32> to vector<16xf32>
        %mul3A_146 = arith.mulf %broadcast_in_dim3A_141, %get3A_145 : vector<16xf32>
        %swap3A_147 = arith.index_cast %scan3A_67 : i32 to index
        %swap3A_148 = arith.constant 96 : index
        %swap3A_149 = tpu.vector_load %arg12[%swap3A_147, %swap3A_148] {strides = array<i32>} : memref<80x128xf32, #tpu.memory_space<vmem>>, vector<1x16xf32>,
        %swap3A_150 = vector.shape_cast %swap3A_149 : vector<1x16xf32> to vector<16xf32>
        %swap3A_151 = vector.shape_cast %mul3A_146 : vector<16xf32> to vector<1x16xf32>
        tpu.vector_store %arg12[%swap3A_147, %swap3A_148], %swap3A_151 {strides = array<i32>} : memref<80x128xf32, #tpu.memory_space<vmem>>, vector<1x16xf32>,
        %slice3A_152 = vector.extract_strided_slice %exp3A {offsets = [2], sizes = [1], strides = [1]} : vector<16xf32> to vector<1xf32>
        %squeeze3A_153 = vector.extract %slice3A_152[0] : f32 from vector<1xf32>
        %broadcast_in_dim3A_154 = vector.broadcast %squeeze3A_153 : f32 to vector<16xf32>
        %get3A_155 = arith.index_cast %scan3A_67 : i32 to index
        %get3A_156 = arith.constant 112 : index
        %get3A_157 = tpu.vector_load %arg10[%get3A_155, %get3A_156] {strides = array<i32>} : memref<80x128xf32, #tpu.memory_space<vmem>>, vector<1x16xf32>,
        %get3A_158 = vector.shape_cast %get3A_157 : vector<1x16xf32> to vector<16xf32>
        %mul3A_159 = arith.mulf %broadcast_in_dim3A_154, %get3A_158 : vector<16xf32>
        %swap3A_160 = arith.index_cast %scan3A_67 : i32 to index
        %swap3A_161 = arith.constant 112 : index
        %swap3A_162 = tpu.vector_load %arg12[%swap3A_160, %swap3A_161] {strides = array<i32>} : memref<80x128xf32, #tpu.memory_space<vmem>>, vector<1x16xf32>,
        %swap3A_163 = vector.shape_cast %swap3A_162 : vector<1x16xf32> to vector<16xf32>
        %swap3A_164 = vector.shape_cast %mul3A_159 : vector<16xf32> to vector<1x16xf32>
        tpu.vector_store %arg12[%swap3A_160, %swap3A_161], %swap3A_164 {strides = array<i32>} : memref<80x128xf32, #tpu.memory_space<vmem>>, vector<1x16xf32>,
      }
      %scan3A_66 = arith.constant 80 : i32
      "tpu.region"() ({
        %run_scoped3A = tpu.sem_alloc : memref<!tpu.dma_semaphore, #tpu.memory_space<semaphore_mem>>
        %dma_start3A = arith.constant 0 : i32
        %dma_start3A_67 = arith.constant 0 : i32
        %dma_start3A_68 = tpu.memref_slice %arg13[%dma_start3A, %dma_start3A_67] : memref<10000x128xf32, #tpu.memory_space<vmem_shared>> -> memref<10000x128xf32, #tpu.memory_space<vmem_shared>>
        tpu.enqueue_indirect_dma source(%arg12 : memref<80x128xf32, #tpu.memory_space<vmem>>) target(%dma_start3A_68 : memref<10000x128xf32, #tpu.memory_space<vmem_shared>>) offsets(%arg9 : memref<80xi32, #tpu.memory_space<vmem>>) semaphore(%run_scoped3A : memref<!tpu.dma_semaphore, #tpu.memory_space<semaphore_mem>>) {add = true}
        %dma_wait3A = arith.constant 0 : i32
        %dma_wait3A_69 = arith.constant 0 : i32
        %dma_wait3A_70 = tpu.memref_slice %arg13[%dma_wait3A, %dma_wait3A_69] : memref<10000x128xf32, #tpu.memory_space<vmem_shared>> -> memref<10000x128xf32, #tpu.memory_space<vmem_shared>>
        tpu.wait_indirect_dma semaphore(%run_scoped3A : memref<!tpu.dma_semaphore, #tpu.memory_space<semaphore_mem>>) src(%arg12 : memref<80x128xf32, #tpu.memory_space<vmem>>) dst(%dma_wait3A_70 : memref<10000x128xf32, #tpu.memory_space<vmem_shared>>)
        tpu.yield
      }) : () -> ()
    }
    %scan3A_15 = arith.constant 125 : i32
    %barrier3A_16 = arith.constant 0 : index
    tpu.barrier barrier_id(%barrier3A_16)
    %lt3A_17 = arith.constant 15 : i32
    %lt3A_18 = arith.cmpi slt, %arg1, %lt3A_17 : i32
    %convert_element_type3A_19 = arith.extui %lt3A_18 : i1 to i32
    %cond3A_20 = arith.constant 0 : i32
    %cond3A_21 = arith.cmpi ne, %convert_element_type3A_19, %cond3A_20 : i32
    scf.if %cond3A_21 {
      %run_scoped3A = arith.constant 0 : i32
      "tpu.region"() ({
        %run_scoped3A_57 = tpu.sem_alloc : memref<!tpu.dma_semaphore, #tpu.memory_space<semaphore_mem>>
        %dma_start3A = arith.constant 0 : i32
        %dma_start3A_58 = tpu.memref_slice %arg7[%run_scoped3A, %arg0, %mul3A_2, %dma_start3A] : memref<2x2x10000x128xf32, #tpu.memory_space<hbm>> -> memref<1x1x632x128xf32, #tpu.memory_space<hbm>>
        %dma_start3A_59 = tpu.memref_squeeze %dma_start3A_58 : memref<1x1x632x128xf32, #tpu.memory_space<hbm>> -> memref<632x128xf32, #tpu.memory_space<hbm>>
        %dma_start3A_60 = arith.constant 0 : i32
        %dma_start3A_61 = tpu.memref_slice %arg13[%mul3A_2, %dma_start3A_60] : memref<10000x128xf32, #tpu.memory_space<vmem_shared>> -> memref<632x128xf32, #tpu.memory_space<vmem_shared>>
        tpu.enqueue_dma source(%dma_start3A_61 : memref<632x128xf32, #tpu.memory_space<vmem_shared>>) target(%dma_start3A_59 : memref<632x128xf32, #tpu.memory_space<hbm>>) target_semaphore(%run_scoped3A_57 : memref<!tpu.dma_semaphore, #tpu.memory_space<semaphore_mem>>)
        %dma_wait3A = arith.constant 0 : i32
        %dma_wait3A_62 = tpu.memref_slice %arg7[%run_scoped3A, %arg0, %mul3A_2, %dma_wait3A] : memref<2x2x10000x128xf32, #tpu.memory_space<hbm>> -> memref<1x1x632x128xf32, #tpu.memory_space<hbm>>
        %dma_wait3A_63 = tpu.memref_squeeze %dma_wait3A_62 : memref<1x1x632x128xf32, #tpu.memory_space<hbm>> -> memref<632x128xf32, #tpu.memory_space<hbm>>
        %dma_wait3A_64 = arith.constant 0 : i32
        %dma_wait3A_65 = tpu.memref_slice %arg13[%mul3A_2, %dma_wait3A_64] : memref<10000x128xf32, #tpu.memory_space<vmem_shared>> -> memref<632x128xf32, #tpu.memory_space<vmem_shared>>
        tpu.wait_dma2 semaphore(%run_scoped3A_57 : memref<!tpu.dma_semaphore, #tpu.memory_space<semaphore_mem>>) src(%dma_wait3A_65 : memref<632x128xf32, #tpu.memory_space<vmem_shared>>) dst(%dma_wait3A_63 : memref<632x128xf32, #tpu.memory_space<hbm>>)
        tpu.yield
      }) : () -> ()
    } else {
    }
    %eq3A_22 = arith.constant 15 : i32
    %eq3A_23 = arith.cmpi eq, %arg1, %eq3A_22 : i32
    %convert_element_type3A_24 = arith.extui %eq3A_23 : i1 to i32
    %cond3A_25 = arith.constant 0 : i32
    %cond3A_26 = arith.cmpi ne, %convert_element_type3A_24, %cond3A_25 : i32
    scf.if %cond3A_26 {
      %run_scoped3A = arith.constant 0 : i32
      "tpu.region"() ({
        %run_scoped3A_57 = tpu.sem_alloc : memref<!tpu.dma_semaphore, #tpu.memory_space<semaphore_mem>>
        %dma_start3A = arith.constant 9480 : i32
        %dma_start3A_58 = arith.constant 0 : i32
        %dma_start3A_59 = tpu.memref_slice %arg7[%run_scoped3A, %arg0, %dma_start3A, %dma_start3A_58] : memref<2x2x10000x128xf32, #tpu.memory_space<hbm>> -> memref<1x1x520x128xf32, #tpu.memory_space<hbm>>
        %dma_start3A_60 = tpu.memref_squeeze %dma_start3A_59 : memref<1x1x520x128xf32, #tpu.memory_space<hbm>> -> memref<520x128xf32, #tpu.memory_space<hbm>>
        %dma_start3A_61 = arith.constant 9480 : i32
        %dma_start3A_62 = arith.constant 0 : i32
        %dma_start3A_63 = tpu.memref_slice %arg13[%dma_start3A_61, %dma_start3A_62] : memref<10000x128xf32, #tpu.memory_space<vmem_shared>> -> memref<520x128xf32, #tpu.memory_space<vmem_shared>>
        tpu.enqueue_dma source(%dma_start3A_63 : memref<520x128xf32, #tpu.memory_space<vmem_shared>>) target(%dma_start3A_60 : memref<520x128xf32, #tpu.memory_space<hbm>>) target_semaphore(%run_scoped3A_57 : memref<!tpu.dma_semaphore, #tpu.memory_space<semaphore_mem>>)
        %dma_wait3A = arith.constant 9480 : i32
        %dma_wait3A_64 = arith.constant 0 : i32
        %dma_wait3A_65 = tpu.memref_slice %arg7[%run_scoped3A, %arg0, %dma_wait3A, %dma_wait3A_64] : memref<2x2x10000x128xf32, #tpu.memory_space<hbm>> -> memref<1x1x520x128xf32, #tpu.memory_space<hbm>>
        %dma_wait3A_66 = tpu.memref_squeeze %dma_wait3A_65 : memref<1x1x520x128xf32, #tpu.memory_space<hbm>> -> memref<520x128xf32, #tpu.memory_space<hbm>>
        %dma_wait3A_67 = arith.constant 9480 : i32
        %dma_wait3A_68 = arith.constant 0 : i32
        %dma_wait3A_69 = tpu.memref_slice %arg13[%dma_wait3A_67, %dma_wait3A_68] : memref<10000x128xf32, #tpu.memory_space<vmem_shared>> -> memref<520x128xf32, #tpu.memory_space<vmem_shared>>
        tpu.wait_dma2 semaphore(%run_scoped3A_57 : memref<!tpu.dma_semaphore, #tpu.memory_space<semaphore_mem>>) src(%dma_wait3A_69 : memref<520x128xf32, #tpu.memory_space<vmem_shared>>) dst(%dma_wait3A_66 : memref<520x128xf32, #tpu.memory_space<hbm>>)
        tpu.yield
      }) : () -> ()
    } else {
    }
    %barrier3A_27 = arith.constant 0 : index
    tpu.barrier barrier_id(%barrier3A_27)
    %lt3A_28 = arith.constant 15 : i32
    %lt3A_29 = arith.cmpi slt, %arg1, %lt3A_28 : i32
    %convert_element_type3A_30 = arith.extui %lt3A_29 : i1 to i32
    %cond3A_31 = arith.constant 0 : i32
    %cond3A_32 = arith.cmpi ne, %convert_element_type3A_30, %cond3A_31 : i32
    scf.if %cond3A_32 {
      "tpu.region"() ({
        %run_scoped3A = tpu.sem_alloc : memref<!tpu.dma_semaphore, #tpu.memory_space<semaphore_mem>>
        %dma_start3A = arith.constant 0 : i32
        %dma_start3A_57 = tpu.memref_slice %arg13[%mul3A_2, %dma_start3A] : memref<10000x128xf32, #tpu.memory_space<vmem_shared>> -> memref<632x128xf32, #tpu.memory_space<vmem_shared>>
        %dma_start3A_58 = arith.constant 0 : i32
        %dma_start3A_59 = tpu.memref_slice %arg6[%mul3A_2, %dma_start3A_58] : memref<10000x128xf32, #tpu.memory_space<hbm>> -> memref<632x128xf32, #tpu.memory_space<hbm>>
        tpu.enqueue_dma source(%dma_start3A_59 : memref<632x128xf32, #tpu.memory_space<hbm>>) target(%dma_start3A_57 : memref<632x128xf32, #tpu.memory_space<vmem_shared>>) target_semaphore(%run_scoped3A : memref<!tpu.dma_semaphore, #tpu.memory_space<semaphore_mem>>)
        %dma_wait3A = arith.constant 0 : i32
        %dma_wait3A_60 = tpu.memref_slice %arg13[%mul3A_2, %dma_wait3A] : memref<10000x128xf32, #tpu.memory_space<vmem_shared>> -> memref<632x128xf32, #tpu.memory_space<vmem_shared>>
        %dma_wait3A_61 = arith.constant 0 : i32
        %dma_wait3A_62 = tpu.memref_slice %arg6[%mul3A_2, %dma_wait3A_61] : memref<10000x128xf32, #tpu.memory_space<hbm>> -> memref<632x128xf32, #tpu.memory_space<hbm>>
        tpu.wait_dma2 semaphore(%run_scoped3A : memref<!tpu.dma_semaphore, #tpu.memory_space<semaphore_mem>>) src(%dma_wait3A_62 : memref<632x128xf32, #tpu.memory_space<hbm>>) dst(%dma_wait3A_60 : memref<632x128xf32, #tpu.memory_space<vmem_shared>>)
        tpu.yield
      }) : () -> ()
    } else {
    }
    %eq3A_33 = arith.constant 15 : i32
    %eq3A_34 = arith.cmpi eq, %arg1, %eq3A_33 : i32
    %convert_element_type3A_35 = arith.extui %eq3A_34 : i1 to i32
    %cond3A_36 = arith.constant 0 : i32
    %cond3A_37 = arith.cmpi ne, %convert_element_type3A_35, %cond3A_36 : i32
    scf.if %cond3A_37 {
      "tpu.region"() ({
        %run_scoped3A = tpu.sem_alloc : memref<!tpu.dma_semaphore, #tpu.memory_space<semaphore_mem>>
        %dma_start3A = arith.constant 9480 : i32
        %dma_start3A_57 = arith.constant 0 : i32
        %dma_start3A_58 = tpu.memref_slice %arg13[%dma_start3A, %dma_start3A_57] : memref<10000x128xf32, #tpu.memory_space<vmem_shared>> -> memref<520x128xf32, #tpu.memory_space<vmem_shared>>
        %dma_start3A_59 = arith.constant 9480 : i32
        %dma_start3A_60 = arith.constant 0 : i32
        %dma_start3A_61 = tpu.memref_slice %arg6[%dma_start3A_59, %dma_start3A_60] : memref<10000x128xf32, #tpu.memory_space<hbm>> -> memref<520x128xf32, #tpu.memory_space<hbm>>
        tpu.enqueue_dma source(%dma_start3A_61 : memref<520x128xf32, #tpu.memory_space<hbm>>) target(%dma_start3A_58 : memref<520x128xf32, #tpu.memory_space<vmem_shared>>) target_semaphore(%run_scoped3A : memref<!tpu.dma_semaphore, #tpu.memory_space<semaphore_mem>>)
        %dma_wait3A = arith.constant 9480 : i32
        %dma_wait3A_62 = arith.constant 0 : i32
        %dma_wait3A_63 = tpu.memref_slice %arg13[%dma_wait3A, %dma_wait3A_62] : memref<10000x128xf32, #tpu.memory_space<vmem_shared>> -> memref<520x128xf32, #tpu.memory_space<vmem_shared>>
        %dma_wait3A_64 = arith.constant 9480 : i32
        %dma_wait3A_65 = arith.constant 0 : i32
        %dma_wait3A_66 = tpu.memref_slice %arg6[%dma_wait3A_64, %dma_wait3A_65] : memref<10000x128xf32, #tpu.memory_space<hbm>> -> memref<520x128xf32, #tpu.memory_space<hbm>>
        tpu.wait_dma2 semaphore(%run_scoped3A : memref<!tpu.dma_semaphore, #tpu.memory_space<semaphore_mem>>) src(%dma_wait3A_66 : memref<520x128xf32, #tpu.memory_space<hbm>>) dst(%dma_wait3A_63 : memref<520x128xf32, #tpu.memory_space<vmem_shared>>)
        tpu.yield
      }) : () -> ()
    } else {
    }
    %barrier3A_38 = arith.constant 0 : index
    tpu.barrier barrier_id(%barrier3A_38)
    %scan3A_39 = arith.constant 0 : i32
    %scan3A_40 = arith.constant 0 : i32
    %scan3A_41 = arith.constant 125 : i32
    %scan3A_42 = arith.addi %scan3A_40, %scan3A_41 : i32
    %scan3A_43 = arith.constant 1 : i32
    scf.for %scan3A_57 = %scan3A_40 to %scan3A_42 step %scan3A_43  : i32 {
      %mul3A_58 = arith.constant 80 : i32
      %mul3A_59 = arith.muli %scan3A_57, %mul3A_58 : i32
      %add3A_60 = arith.addi %mul3A_4, %mul3A_59 : i32
      "tpu.region"() ({
        %run_scoped3A = tpu.sem_alloc : memref<!tpu.dma_semaphore, #tpu.memory_space<semaphore_mem>>
        %dma_start3A = tpu.memref_slice %arg4[%add3A_60] : memref<320000xi32, #tpu.memory_space<hbm>> -> memref<80xi32, #tpu.memory_space<hbm>>
        %dma_start3A_67 = tpu.memref_slice %arg4[%add3A_60] : memref<320000xi32, #tpu.memory_space<hbm>> -> memref<80xi32, #tpu.memory_space<hbm>>
        tpu.enqueue_dma source(%dma_start3A_67 : memref<80xi32, #tpu.memory_space<hbm>>) target(%arg8 : memref<80xi32, #tpu.memory_space<vmem>>) target_semaphore(%run_scoped3A : memref<!tpu.dma_semaphore, #tpu.memory_space<semaphore_mem>>)
        %dma_wait3A = tpu.memref_slice %arg4[%add3A_60] : memref<320000xi32, #tpu.memory_space<hbm>> -> memref<80xi32, #tpu.memory_space<hbm>>
        %dma_wait3A_68 = tpu.memref_slice %arg4[%add3A_60] : memref<320000xi32, #tpu.memory_space<hbm>> -> memref<80xi32, #tpu.memory_space<hbm>>
        tpu.wait_dma2 semaphore(%run_scoped3A : memref<!tpu.dma_semaphore, #tpu.memory_space<semaphore_mem>>) src(%dma_wait3A_68 : memref<80xi32, #tpu.memory_space<hbm>>) dst(%arg8 : memref<80xi32, #tpu.memory_space<vmem>>)
        tpu.yield
      }) : () -> ()
      "tpu.region"() ({
        %run_scoped3A = tpu.sem_alloc : memref<!tpu.dma_semaphore, #tpu.memory_space<semaphore_mem>>
        %dma_start3A = tpu.memref_slice %arg5[%add3A_60] : memref<320000xi32, #tpu.memory_space<hbm>> -> memref<80xi32, #tpu.memory_space<hbm>>
        %dma_start3A_67 = tpu.memref_slice %arg5[%add3A_60] : memref<320000xi32, #tpu.memory_space<hbm>> -> memref<80xi32, #tpu.memory_space<hbm>>
        tpu.enqueue_dma source(%dma_start3A_67 : memref<80xi32, #tpu.memory_space<hbm>>) target(%arg9 : memref<80xi32, #tpu.memory_space<vmem>>) target_semaphore(%run_scoped3A : memref<!tpu.dma_semaphore, #tpu.memory_space<semaphore_mem>>)
        %dma_wait3A = tpu.memref_slice %arg5[%add3A_60] : memref<320000xi32, #tpu.memory_space<hbm>> -> memref<80xi32, #tpu.memory_space<hbm>>
        %dma_wait3A_68 = tpu.memref_slice %arg5[%add3A_60] : memref<320000xi32, #tpu.memory_space<hbm>> -> memref<80xi32, #tpu.memory_space<hbm>>
        tpu.wait_dma2 semaphore(%run_scoped3A : memref<!tpu.dma_semaphore, #tpu.memory_space<semaphore_mem>>) src(%dma_wait3A_68 : memref<80xi32, #tpu.memory_space<hbm>>) dst(%arg9 : memref<80xi32, #tpu.memory_space<vmem>>)
        tpu.yield
      }) : () -> ()
      "tpu.region"() ({
        %run_scoped3A = tpu.sem_alloc : memref<!tpu.dma_semaphore, #tpu.memory_space<semaphore_mem>>
        %dma_start3A = arith.constant 0 : i32
        %dma_start3A_67 = arith.constant 0 : i32
        %dma_start3A_68 = tpu.memref_slice %arg3[%dma_start3A, %dma_start3A_67] : memref<10000x128xf32, #tpu.memory_space<hbm>> -> memref<10000x128xf32, #tpu.memory_space<hbm>>
        tpu.enqueue_indirect_dma source(%dma_start3A_68 : memref<10000x128xf32, #tpu.memory_space<hbm>>) target(%arg10 : memref<80x128xf32, #tpu.memory_space<vmem>>) offsets(%arg8 : memref<80xi32, #tpu.memory_space<vmem>>) semaphore(%run_scoped3A : memref<!tpu.dma_semaphore, #tpu.memory_space<semaphore_mem>>)
        %dma_wait3A = arith.constant 0 : i32
        %dma_wait3A_69 = arith.constant 0 : i32
        %dma_wait3A_70 = tpu.memref_slice %arg3[%dma_wait3A, %dma_wait3A_69] : memref<10000x128xf32, #tpu.memory_space<hbm>> -> memref<10000x128xf32, #tpu.memory_space<hbm>>
        tpu.wait_indirect_dma semaphore(%run_scoped3A : memref<!tpu.dma_semaphore, #tpu.memory_space<semaphore_mem>>) src(%dma_wait3A_70 : memref<10000x128xf32, #tpu.memory_space<hbm>>) dst(%arg10 : memref<80x128xf32, #tpu.memory_space<vmem>>)
        tpu.yield
      }) : () -> ()
      "tpu.region"() ({
        %run_scoped3A = tpu.sem_alloc : memref<!tpu.dma_semaphore, #tpu.memory_space<semaphore_mem>>
        %dma_start3A = arith.constant 0 : i32
        %dma_start3A_67 = arith.constant 0 : i32
        %dma_start3A_68 = tpu.memref_slice %arg3[%dma_start3A, %dma_start3A_67] : memref<10000x128xf32, #tpu.memory_space<hbm>> -> memref<10000x128xf32, #tpu.memory_space<hbm>>
        tpu.enqueue_indirect_dma source(%dma_start3A_68 : memref<10000x128xf32, #tpu.memory_space<hbm>>) target(%arg11 : memref<80x128xf32, #tpu.memory_space<vmem>>) offsets(%arg9 : memref<80xi32, #tpu.memory_space<vmem>>) semaphore(%run_scoped3A : memref<!tpu.dma_semaphore, #tpu.memory_space<semaphore_mem>>)
        %dma_wait3A = arith.constant 0 : i32
        %dma_wait3A_69 = arith.constant 0 : i32
        %dma_wait3A_70 = tpu.memref_slice %arg3[%dma_wait3A, %dma_wait3A_69] : memref<10000x128xf32, #tpu.memory_space<hbm>> -> memref<10000x128xf32, #tpu.memory_space<hbm>>
        tpu.wait_indirect_dma semaphore(%run_scoped3A : memref<!tpu.dma_semaphore, #tpu.memory_space<semaphore_mem>>) src(%dma_wait3A_70 : memref<10000x128xf32, #tpu.memory_space<hbm>>) dst(%arg11 : memref<80x128xf32, #tpu.memory_space<vmem>>)
        tpu.yield
      }) : () -> ()
      %scan3A_61 = arith.constant 0 : i32
      %scan3A_62 = arith.constant 0 : i32
      %scan3A_63 = arith.constant 80 : i32
      %scan3A_64 = arith.addi %scan3A_62, %scan3A_63 : i32
      %scan3A_65 = arith.constant 1 : i32
      scf.for %scan3A_67 = %scan3A_62 to %scan3A_64 step %scan3A_65  : i32 {
        %get3A = arith.index_cast %scan3A_67 : i32 to index
        %get3A_68 = arith.constant 0 : index
        %get3A_69 = tpu.vector_load %arg10[%get3A, %get3A_68] {strides = array<i32>} : memref<80x128xf32, #tpu.memory_space<vmem>>, vector<1x16xf32>,
        %get3A_70 = vector.shape_cast %get3A_69 : vector<1x16xf32> to vector<16xf32>
        %get3A_71 = arith.index_cast %scan3A_67 : i32 to index
        %get3A_72 = arith.constant 16 : index
        %get3A_73 = tpu.vector_load %arg11[%get3A_71, %get3A_72] {strides = array<i32>} : memref<80x128xf32, #tpu.memory_space<vmem>>, vector<1x16xf32>,
        %get3A_74 = vector.shape_cast %get3A_73 : vector<1x16xf32> to vector<16xf32>
        %add3A_75 = arith.addf %get3A_70, %get3A_74 : vector<16xf32>
        %mul3A_76 = arith.constant 2.000000e-01 : f32
        %mul3A_77 = vector.broadcast %mul3A_76 : f32 to vector<16xf32>
        %mul3A_78 = arith.mulf %mul3A_77, %add3A_75 : vector<16xf32>
        %max3A = arith.maximumf %add3A_75, %mul3A_78 : vector<16xf32>
        %exp3A = math.exp %max3A : vector<16xf32>
        %swap3A = arith.index_cast %scan3A_67 : i32 to index
        %swap3A_79 = arith.constant 0 : index
        %swap3A_80 = tpu.vector_load %arg12[%swap3A, %swap3A_79] {strides = array<i32>} : memref<80x128xf32, #tpu.memory_space<vmem>>, vector<1x16xf32>,
        %swap3A_81 = vector.shape_cast %swap3A_80 : vector<1x16xf32> to vector<16xf32>
        %swap3A_82 = vector.shape_cast %exp3A : vector<16xf32> to vector<1x16xf32>
        tpu.vector_store %arg12[%swap3A, %swap3A_79], %swap3A_82 {strides = array<i32>} : memref<80x128xf32, #tpu.memory_space<vmem>>, vector<1x16xf32>,
        %broadcast_in_dim3A = arith.constant 0.000000e+00 : f32
        %broadcast_in_dim3A_83 = vector.broadcast %broadcast_in_dim3A : f32 to vector<16xf32>
        %swap3A_84 = arith.index_cast %scan3A_67 : i32 to index
        %swap3A_85 = arith.constant 16 : index
        %swap3A_86 = tpu.vector_load %arg12[%swap3A_84, %swap3A_85] {strides = array<i32>} : memref<80x128xf32, #tpu.memory_space<vmem>>, vector<1x16xf32>,
        %swap3A_87 = vector.shape_cast %swap3A_86 : vector<1x16xf32> to vector<16xf32>
        %swap3A_88 = vector.shape_cast %broadcast_in_dim3A_83 : vector<16xf32> to vector<1x16xf32>
        tpu.vector_store %arg12[%swap3A_84, %swap3A_85], %swap3A_88 {strides = array<i32>} : memref<80x128xf32, #tpu.memory_space<vmem>>, vector<1x16xf32>,
        %slice3A = vector.extract_strided_slice %exp3A {offsets = [3], sizes = [1], strides = [1]} : vector<16xf32> to vector<1xf32>
        %squeeze3A = vector.extract %slice3A[0] : f32 from vector<1xf32>
        %broadcast_in_dim3A_89 = vector.broadcast %squeeze3A : f32 to vector<16xf32>
        %get3A_90 = arith.index_cast %scan3A_67 : i32 to index
        %get3A_91 = arith.constant 32 : index
        %get3A_92 = tpu.vector_load %arg10[%get3A_90, %get3A_91] {strides = array<i32>} : memref<80x128xf32, #tpu.memory_space<vmem>>, vector<1x16xf32>,
        %get3A_93 = vector.shape_cast %get3A_92 : vector<1x16xf32> to vector<16xf32>
        %mul3A_94 = arith.mulf %broadcast_in_dim3A_89, %get3A_93 : vector<16xf32>
        %swap3A_95 = arith.index_cast %scan3A_67 : i32 to index
        %swap3A_96 = arith.constant 32 : index
        %swap3A_97 = tpu.vector_load %arg12[%swap3A_95, %swap3A_96] {strides = array<i32>} : memref<80x128xf32, #tpu.memory_space<vmem>>, vector<1x16xf32>,
        %swap3A_98 = vector.shape_cast %swap3A_97 : vector<1x16xf32> to vector<16xf32>
        %swap3A_99 = vector.shape_cast %mul3A_94 : vector<16xf32> to vector<1x16xf32>
        tpu.vector_store %arg12[%swap3A_95, %swap3A_96], %swap3A_99 {strides = array<i32>} : memref<80x128xf32, #tpu.memory_space<vmem>>, vector<1x16xf32>,
        %slice3A_100 = vector.extract_strided_slice %exp3A {offsets = [3], sizes = [1], strides = [1]} : vector<16xf32> to vector<1xf32>
        %squeeze3A_101 = vector.extract %slice3A_100[0] : f32 from vector<1xf32>
        %broadcast_in_dim3A_102 = vector.broadcast %squeeze3A_101 : f32 to vector<16xf32>
        %get3A_103 = arith.index_cast %scan3A_67 : i32 to index
        %get3A_104 = arith.constant 48 : index
        %get3A_105 = tpu.vector_load %arg10[%get3A_103, %get3A_104] {strides = array<i32>} : memref<80x128xf32, #tpu.memory_space<vmem>>, vector<1x16xf32>,
        %get3A_106 = vector.shape_cast %get3A_105 : vector<1x16xf32> to vector<16xf32>
        %mul3A_107 = arith.mulf %broadcast_in_dim3A_102, %get3A_106 : vector<16xf32>
        %swap3A_108 = arith.index_cast %scan3A_67 : i32 to index
        %swap3A_109 = arith.constant 48 : index
        %swap3A_110 = tpu.vector_load %arg12[%swap3A_108, %swap3A_109] {strides = array<i32>} : memref<80x128xf32, #tpu.memory_space<vmem>>, vector<1x16xf32>,
        %swap3A_111 = vector.shape_cast %swap3A_110 : vector<1x16xf32> to vector<16xf32>
        %swap3A_112 = vector.shape_cast %mul3A_107 : vector<16xf32> to vector<1x16xf32>
        tpu.vector_store %arg12[%swap3A_108, %swap3A_109], %swap3A_112 {strides = array<i32>} : memref<80x128xf32, #tpu.memory_space<vmem>>, vector<1x16xf32>,
        %slice3A_113 = vector.extract_strided_slice %exp3A {offsets = [4], sizes = [1], strides = [1]} : vector<16xf32> to vector<1xf32>
        %squeeze3A_114 = vector.extract %slice3A_113[0] : f32 from vector<1xf32>
        %broadcast_in_dim3A_115 = vector.broadcast %squeeze3A_114 : f32 to vector<16xf32>
        %get3A_116 = arith.index_cast %scan3A_67 : i32 to index
        %get3A_117 = arith.constant 64 : index
        %get3A_118 = tpu.vector_load %arg10[%get3A_116, %get3A_117] {strides = array<i32>} : memref<80x128xf32, #tpu.memory_space<vmem>>, vector<1x16xf32>,
        %get3A_119 = vector.shape_cast %get3A_118 : vector<1x16xf32> to vector<16xf32>
        %mul3A_120 = arith.mulf %broadcast_in_dim3A_115, %get3A_119 : vector<16xf32>
        %swap3A_121 = arith.index_cast %scan3A_67 : i32 to index
        %swap3A_122 = arith.constant 64 : index
        %swap3A_123 = tpu.vector_load %arg12[%swap3A_121, %swap3A_122] {strides = array<i32>} : memref<80x128xf32, #tpu.memory_space<vmem>>, vector<1x16xf32>,
        %swap3A_124 = vector.shape_cast %swap3A_123 : vector<1x16xf32> to vector<16xf32>
        %swap3A_125 = vector.shape_cast %mul3A_120 : vector<16xf32> to vector<1x16xf32>
        tpu.vector_store %arg12[%swap3A_121, %swap3A_122], %swap3A_125 {strides = array<i32>} : memref<80x128xf32, #tpu.memory_space<vmem>>, vector<1x16xf32>,
        %slice3A_126 = vector.extract_strided_slice %exp3A {offsets = [4], sizes = [1], strides = [1]} : vector<16xf32> to vector<1xf32>
        %squeeze3A_127 = vector.extract %slice3A_126[0] : f32 from vector<1xf32>
        %broadcast_in_dim3A_128 = vector.broadcast %squeeze3A_127 : f32 to vector<16xf32>
        %get3A_129 = arith.index_cast %scan3A_67 : i32 to index
        %get3A_130 = arith.constant 80 : index
        %get3A_131 = tpu.vector_load %arg10[%get3A_129, %get3A_130] {strides = array<i32>} : memref<80x128xf32, #tpu.memory_space<vmem>>, vector<1x16xf32>,
        %get3A_132 = vector.shape_cast %get3A_131 : vector<1x16xf32> to vector<16xf32>
        %mul3A_133 = arith.mulf %broadcast_in_dim3A_128, %get3A_132 : vector<16xf32>
        %swap3A_134 = arith.index_cast %scan3A_67 : i32 to index
        %swap3A_135 = arith.constant 80 : index
        %swap3A_136 = tpu.vector_load %arg12[%swap3A_134, %swap3A_135] {strides = array<i32>} : memref<80x128xf32, #tpu.memory_space<vmem>>, vector<1x16xf32>,
        %swap3A_137 = vector.shape_cast %swap3A_136 : vector<1x16xf32> to vector<16xf32>
        %swap3A_138 = vector.shape_cast %mul3A_133 : vector<16xf32> to vector<1x16xf32>
        tpu.vector_store %arg12[%swap3A_134, %swap3A_135], %swap3A_138 {strides = array<i32>} : memref<80x128xf32, #tpu.memory_space<vmem>>, vector<1x16xf32>,
        %slice3A_139 = vector.extract_strided_slice %exp3A {offsets = [5], sizes = [1], strides = [1]} : vector<16xf32> to vector<1xf32>
        %squeeze3A_140 = vector.extract %slice3A_139[0] : f32 from vector<1xf32>
        %broadcast_in_dim3A_141 = vector.broadcast %squeeze3A_140 : f32 to vector<16xf32>
        %get3A_142 = arith.index_cast %scan3A_67 : i32 to index
        %get3A_143 = arith.constant 96 : index
        %get3A_144 = tpu.vector_load %arg10[%get3A_142, %get3A_143] {strides = array<i32>} : memref<80x128xf32, #tpu.memory_space<vmem>>, vector<1x16xf32>,
        %get3A_145 = vector.shape_cast %get3A_144 : vector<1x16xf32> to vector<16xf32>
        %mul3A_146 = arith.mulf %broadcast_in_dim3A_141, %get3A_145 : vector<16xf32>
        %swap3A_147 = arith.index_cast %scan3A_67 : i32 to index
        %swap3A_148 = arith.constant 96 : index
        %swap3A_149 = tpu.vector_load %arg12[%swap3A_147, %swap3A_148] {strides = array<i32>} : memref<80x128xf32, #tpu.memory_space<vmem>>, vector<1x16xf32>,
        %swap3A_150 = vector.shape_cast %swap3A_149 : vector<1x16xf32> to vector<16xf32>
        %swap3A_151 = vector.shape_cast %mul3A_146 : vector<16xf32> to vector<1x16xf32>
        tpu.vector_store %arg12[%swap3A_147, %swap3A_148], %swap3A_151 {strides = array<i32>} : memref<80x128xf32, #tpu.memory_space<vmem>>, vector<1x16xf32>,
        %slice3A_152 = vector.extract_strided_slice %exp3A {offsets = [5], sizes = [1], strides = [1]} : vector<16xf32> to vector<1xf32>
        %squeeze3A_153 = vector.extract %slice3A_152[0] : f32 from vector<1xf32>
        %broadcast_in_dim3A_154 = vector.broadcast %squeeze3A_153 : f32 to vector<16xf32>
        %get3A_155 = arith.index_cast %scan3A_67 : i32 to index
        %get3A_156 = arith.constant 112 : index
        %get3A_157 = tpu.vector_load %arg10[%get3A_155, %get3A_156] {strides = array<i32>} : memref<80x128xf32, #tpu.memory_space<vmem>>, vector<1x16xf32>,
        %get3A_158 = vector.shape_cast %get3A_157 : vector<1x16xf32> to vector<16xf32>
        %mul3A_159 = arith.mulf %broadcast_in_dim3A_154, %get3A_158 : vector<16xf32>
        %swap3A_160 = arith.index_cast %scan3A_67 : i32 to index
        %swap3A_161 = arith.constant 112 : index
        %swap3A_162 = tpu.vector_load %arg12[%swap3A_160, %swap3A_161] {strides = array<i32>} : memref<80x128xf32, #tpu.memory_space<vmem>>, vector<1x16xf32>,
        %swap3A_163 = vector.shape_cast %swap3A_162 : vector<1x16xf32> to vector<16xf32>
        %swap3A_164 = vector.shape_cast %mul3A_159 : vector<16xf32> to vector<1x16xf32>
        tpu.vector_store %arg12[%swap3A_160, %swap3A_161], %swap3A_164 {strides = array<i32>} : memref<80x128xf32, #tpu.memory_space<vmem>>, vector<1x16xf32>,
      }
      %scan3A_66 = arith.constant 80 : i32
      "tpu.region"() ({
        %run_scoped3A = tpu.sem_alloc : memref<!tpu.dma_semaphore, #tpu.memory_space<semaphore_mem>>
        %dma_start3A = arith.constant 0 : i32
        %dma_start3A_67 = arith.constant 0 : i32
        %dma_start3A_68 = tpu.memref_slice %arg13[%dma_start3A, %dma_start3A_67] : memref<10000x128xf32, #tpu.memory_space<vmem_shared>> -> memref<10000x128xf32, #tpu.memory_space<vmem_shared>>
        tpu.enqueue_indirect_dma source(%arg12 : memref<80x128xf32, #tpu.memory_space<vmem>>) target(%dma_start3A_68 : memref<10000x128xf32, #tpu.memory_space<vmem_shared>>) offsets(%arg9 : memref<80xi32, #tpu.memory_space<vmem>>) semaphore(%run_scoped3A : memref<!tpu.dma_semaphore, #tpu.memory_space<semaphore_mem>>) {add = true}
        %dma_wait3A = arith.constant 0 : i32
        %dma_wait3A_69 = arith.constant 0 : i32
        %dma_wait3A_70 = tpu.memref_slice %arg13[%dma_wait3A, %dma_wait3A_69] : memref<10000x128xf32, #tpu.memory_space<vmem_shared>> -> memref<10000x128xf32, #tpu.memory_space<vmem_shared>>
        tpu.wait_indirect_dma semaphore(%run_scoped3A : memref<!tpu.dma_semaphore, #tpu.memory_space<semaphore_mem>>) src(%arg12 : memref<80x128xf32, #tpu.memory_space<vmem>>) dst(%dma_wait3A_70 : memref<10000x128xf32, #tpu.memory_space<vmem_shared>>)
        tpu.yield
      }) : () -> ()
    }
    %scan3A_44 = arith.constant 125 : i32
    %barrier3A_45 = arith.constant 0 : index
    tpu.barrier barrier_id(%barrier3A_45)
    %lt3A_46 = arith.constant 15 : i32
    %lt3A_47 = arith.cmpi slt, %arg1, %lt3A_46 : i32
    %convert_element_type3A_48 = arith.extui %lt3A_47 : i1 to i32
    %cond3A_49 = arith.constant 0 : i32
    %cond3A_50 = arith.cmpi ne, %convert_element_type3A_48, %cond3A_49 : i32
    scf.if %cond3A_50 {
      %run_scoped3A = arith.constant 1 : i32
      "tpu.region"() ({
        %run_scoped3A_57 = tpu.sem_alloc : memref<!tpu.dma_semaphore, #tpu.memory_space<semaphore_mem>>
        %dma_start3A = arith.constant 0 : i32
        %dma_start3A_58 = tpu.memref_slice %arg7[%run_scoped3A, %arg0, %mul3A_2, %dma_start3A] : memref<2x2x10000x128xf32, #tpu.memory_space<hbm>> -> memref<1x1x632x128xf32, #tpu.memory_space<hbm>>
        %dma_start3A_59 = tpu.memref_squeeze %dma_start3A_58 : memref<1x1x632x128xf32, #tpu.memory_space<hbm>> -> memref<632x128xf32, #tpu.memory_space<hbm>>
        %dma_start3A_60 = arith.constant 0 : i32
        %dma_start3A_61 = tpu.memref_slice %arg13[%mul3A_2, %dma_start3A_60] : memref<10000x128xf32, #tpu.memory_space<vmem_shared>> -> memref<632x128xf32, #tpu.memory_space<vmem_shared>>
        tpu.enqueue_dma source(%dma_start3A_61 : memref<632x128xf32, #tpu.memory_space<vmem_shared>>) target(%dma_start3A_59 : memref<632x128xf32, #tpu.memory_space<hbm>>) target_semaphore(%run_scoped3A_57 : memref<!tpu.dma_semaphore, #tpu.memory_space<semaphore_mem>>)
        %dma_wait3A = arith.constant 0 : i32
        %dma_wait3A_62 = tpu.memref_slice %arg7[%run_scoped3A, %arg0, %mul3A_2, %dma_wait3A] : memref<2x2x10000x128xf32, #tpu.memory_space<hbm>> -> memref<1x1x632x128xf32, #tpu.memory_space<hbm>>
        %dma_wait3A_63 = tpu.memref_squeeze %dma_wait3A_62 : memref<1x1x632x128xf32, #tpu.memory_space<hbm>> -> memref<632x128xf32, #tpu.memory_space<hbm>>
        %dma_wait3A_64 = arith.constant 0 : i32
        %dma_wait3A_65 = tpu.memref_slice %arg13[%mul3A_2, %dma_wait3A_64] : memref<10000x128xf32, #tpu.memory_space<vmem_shared>> -> memref<632x128xf32, #tpu.memory_space<vmem_shared>>
        tpu.wait_dma2 semaphore(%run_scoped3A_57 : memref<!tpu.dma_semaphore, #tpu.memory_space<semaphore_mem>>) src(%dma_wait3A_65 : memref<632x128xf32, #tpu.memory_space<vmem_shared>>) dst(%dma_wait3A_63 : memref<632x128xf32, #tpu.memory_space<hbm>>)
        tpu.yield
      }) : () -> ()
    } else {
    }
    %eq3A_51 = arith.constant 15 : i32
    %eq3A_52 = arith.cmpi eq, %arg1, %eq3A_51 : i32
    %convert_element_type3A_53 = arith.extui %eq3A_52 : i1 to i32
    %cond3A_54 = arith.constant 0 : i32
    %cond3A_55 = arith.cmpi ne, %convert_element_type3A_53, %cond3A_54 : i32
    scf.if %cond3A_55 {
      %run_scoped3A = arith.constant 1 : i32
      "tpu.region"() ({
        %run_scoped3A_57 = tpu.sem_alloc : memref<!tpu.dma_semaphore, #tpu.memory_space<semaphore_mem>>
        %dma_start3A = arith.constant 9480 : i32
        %dma_start3A_58 = arith.constant 0 : i32
        %dma_start3A_59 = tpu.memref_slice %arg7[%run_scoped3A, %arg0, %dma_start3A, %dma_start3A_58] : memref<2x2x10000x128xf32, #tpu.memory_space<hbm>> -> memref<1x1x520x128xf32, #tpu.memory_space<hbm>>
        %dma_start3A_60 = tpu.memref_squeeze %dma_start3A_59 : memref<1x1x520x128xf32, #tpu.memory_space<hbm>> -> memref<520x128xf32, #tpu.memory_space<hbm>>
        %dma_start3A_61 = arith.constant 9480 : i32
        %dma_start3A_62 = arith.constant 0 : i32
        %dma_start3A_63 = tpu.memref_slice %arg13[%dma_start3A_61, %dma_start3A_62] : memref<10000x128xf32, #tpu.memory_space<vmem_shared>> -> memref<520x128xf32, #tpu.memory_space<vmem_shared>>
        tpu.enqueue_dma source(%dma_start3A_63 : memref<520x128xf32, #tpu.memory_space<vmem_shared>>) target(%dma_start3A_60 : memref<520x128xf32, #tpu.memory_space<hbm>>) target_semaphore(%run_scoped3A_57 : memref<!tpu.dma_semaphore, #tpu.memory_space<semaphore_mem>>)
        %dma_wait3A = arith.constant 9480 : i32
        %dma_wait3A_64 = arith.constant 0 : i32
        %dma_wait3A_65 = tpu.memref_slice %arg7[%run_scoped3A, %arg0, %dma_wait3A, %dma_wait3A_64] : memref<2x2x10000x128xf32, #tpu.memory_space<hbm>> -> memref<1x1x520x128xf32, #tpu.memory_space<hbm>>
        %dma_wait3A_66 = tpu.memref_squeeze %dma_wait3A_65 : memref<1x1x520x128xf32, #tpu.memory_space<hbm>> -> memref<520x128xf32, #tpu.memory_space<hbm>>
        %dma_wait3A_67 = arith.constant 9480 : i32
        %dma_wait3A_68 = arith.constant 0 : i32
        %dma_wait3A_69 = tpu.memref_slice %arg13[%dma_wait3A_67, %dma_wait3A_68] : memref<10000x128xf32, #tpu.memory_space<vmem_shared>> -> memref<520x128xf32, #tpu.memory_space<vmem_shared>>
        tpu.wait_dma2 semaphore(%run_scoped3A_57 : memref<!tpu.dma_semaphore, #tpu.memory_space<semaphore_mem>>) src(%dma_wait3A_69 : memref<520x128xf32, #tpu.memory_space<vmem_shared>>) dst(%dma_wait3A_66 : memref<520x128xf32, #tpu.memory_space<hbm>>)
        tpu.yield
      }) : () -> ()
    } else {
    }
    %barrier3A_56 = arith.constant 0 : index
    tpu.barrier barrier_id(%barrier3A_56)
    return
  }
}

module attributes {stable_mosaic.version = 14 : i64} {
  func.func @_tc1_body(%arg0: i32, %arg1: memref<1000x128xf32, #tpu.memory_space<vmem>>, %arg2: memref<128x64xf32, #tpu.memory_space<vmem>>, %arg3: memref<1x64xf32, #tpu.memory_space<vmem>>, %arg4: memref<64x128xf32, #tpu.memory_space<vmem>>, %arg5: memref<64x128xf32, #tpu.memory_space<vmem>>, %arg6: memref<1000x128xf32, #tpu.memory_space<vmem>>, %arg7: memref<1000x128xf32, #tpu.memory_space<vmem>>) attributes {dimension_semantics = [#tpu.dimension_semantics<arbitrary>], iteration_bounds = array<i64: 10>, scalar_prefetch = 0 : i64, scratch_operands = 0 : i64, tpu.core_type = #tpu.core_type<tc>, window_params = [{transform_indices = @transform_0, window_bounds = array<i64: 1000, 128>}, {pipeline_mode = #tpu.pipeline_mode<synchronous>, transform_indices = @transform_1, window_bounds = array<i64: 128, 64>}, {pipeline_mode = #tpu.pipeline_mode<synchronous>, transform_indices = @transform_2, window_bounds = array<i64: 1, 64>}, {pipeline_mode = #tpu.pipeline_mode<synchronous>, transform_indices = @transform_3, window_bounds = array<i64: 64, 128>}, {pipeline_mode = #tpu.pipeline_mode<synchronous>, transform_indices = @transform_4, window_bounds = array<i64: 64, 128>}, {transform_indices = @transform_5, window_bounds = array<i64: 1000, 128>}, {transform_indices = @transform_6, window_bounds = array<i64: 1000, 128>}]} {
    %get3A = arith.constant 0 : index
    %get3A_0 = arith.constant 0 : index
    %get3A_1 = vector.load %arg1[%get3A, %get3A_0] : memref<1000x128xf32, #tpu.memory_space<vmem>>, vector<1000x128xf32>
    %get3A_2 = arith.constant 0 : index
    %get3A_3 = arith.constant 0 : index
    %get3A_4 = vector.load %arg2[%get3A_2, %get3A_3] : memref<128x64xf32, #tpu.memory_space<vmem>>, vector<128x64xf32>
    %dot_general3A = arith.constant dense<0.000000e+00> : vector<1000x64xf32>
    %dot_general3A_5 = tpu.matmul %get3A_1, %get3A_4, %dot_general3A {dimension_numbers = #tpu.dot_dimension_numbers<[1], [0], [0], [1], [0, 0, 1, 1], [], []>, transpose_lhs_hint = false} : vector<1000x128xf32>, vector<128x64xf32>, vector<1000x64xf32> -> vector<1000x64xf32>
    %get3A_6 = arith.constant 0 : index
    %get3A_7 = arith.constant 0 : index
    %get3A_8 = vector.load %arg3[%get3A_6, %get3A_7] : memref<1x64xf32, #tpu.memory_space<vmem>>, vector<1x64xf32>
    %add3A = vector.broadcast %get3A_8 : vector<1x64xf32> to vector<1000x64xf32>
    %add3A_9 = arith.addf %dot_general3A_5, %add3A : vector<1000x64xf32>
    %logistic3A = arith.negf %add3A_9 : vector<1000x64xf32>
    %logistic3A_10 = math.exp %logistic3A : vector<1000x64xf32>
    %logistic3A_11 = arith.constant 1.000000e+00 : f32
    %logistic3A_12 = vector.broadcast %logistic3A_11 : f32 to vector<1000x64xf32>
    %logistic3A_13 = arith.addf %logistic3A_12, %logistic3A_10 : vector<1000x64xf32>
    %logistic3A_14 = arith.divf %logistic3A_12, %logistic3A_13 : vector<1000x64xf32>
    %get3A_15 = arith.constant 0 : index
    %get3A_16 = arith.constant 0 : index
    %get3A_17 = vector.load %arg4[%get3A_15, %get3A_16] : memref<64x128xf32, #tpu.memory_space<vmem>>, vector<64x128xf32>
    %dot_general3A_18 = arith.constant dense<0.000000e+00> : vector<1000x128xf32>
    %dot_general3A_19 = tpu.matmul %logistic3A_14, %get3A_17, %dot_general3A_18 {dimension_numbers = #tpu.dot_dimension_numbers<[1], [0], [0], [1], [0, 0, 1, 1], [], []>, transpose_lhs_hint = false} : vector<1000x64xf32>, vector<64x128xf32>, vector<1000x128xf32> -> vector<1000x128xf32>
    %swap3A = arith.constant 0 : index
    %swap3A_20 = arith.constant 0 : index
    %swap3A_21 = vector.load %arg6[%swap3A, %swap3A_20] : memref<1000x128xf32, #tpu.memory_space<vmem>>, vector<1000x128xf32>
    tpu.vector_store %arg6[%swap3A, %swap3A_20], %dot_general3A_19 {strides = array<i32>} : memref<1000x128xf32, #tpu.memory_space<vmem>>, vector<1000x128xf32>,
    %get3A_22 = arith.constant 0 : index
    %get3A_23 = arith.constant 0 : index
    %get3A_24 = vector.load %arg5[%get3A_22, %get3A_23] : memref<64x128xf32, #tpu.memory_space<vmem>>, vector<64x128xf32>
    %dot_general3A_25 = arith.constant dense<0.000000e+00> : vector<1000x128xf32>
    %dot_general3A_26 = tpu.matmul %logistic3A_14, %get3A_24, %dot_general3A_25 {dimension_numbers = #tpu.dot_dimension_numbers<[1], [0], [0], [1], [0, 0, 1, 1], [], []>, transpose_lhs_hint = false} : vector<1000x64xf32>, vector<64x128xf32>, vector<1000x128xf32> -> vector<1000x128xf32>
    %swap3A_27 = arith.constant 0 : index
    %swap3A_28 = arith.constant 0 : index
    %swap3A_29 = vector.load %arg7[%swap3A_27, %swap3A_28] : memref<1000x128xf32, #tpu.memory_space<vmem>>, vector<1000x128xf32>
    tpu.vector_store %arg7[%swap3A_27, %swap3A_28], %dot_general3A_26 {strides = array<i32>} : memref<1000x128xf32, #tpu.memory_space<vmem>>, vector<1000x128xf32>,
    return
  }
  func.func @transform_0(%arg0: i32) -> (i32, i32) {
    %c0_i32 = arith.constant 0 : i32
    %c0_i32_0 = arith.constant 0 : i32
    return %arg0, %c0_i32 : i32, i32
  }
  func.func @transform_1(%arg0: i32) -> (i32, i32) {
    %c0_i32 = arith.constant 0 : i32
    %c0_i32_0 = arith.constant 0 : i32
    %c0_i32_1 = arith.constant 0 : i32
    return %c0_i32, %c0_i32_0 : i32, i32
  }
  func.func @transform_2(%arg0: i32) -> (i32, i32) {
    %c0_i32 = arith.constant 0 : i32
    %c0_i32_0 = arith.constant 0 : i32
    %c0_i32_1 = arith.constant 0 : i32
    return %c0_i32, %c0_i32_0 : i32, i32
  }
  func.func @transform_3(%arg0: i32) -> (i32, i32) {
    %c0_i32 = arith.constant 0 : i32
    %c0_i32_0 = arith.constant 0 : i32
    %c0_i32_1 = arith.constant 0 : i32
    return %c0_i32, %c0_i32_0 : i32, i32
  }
  func.func @transform_4(%arg0: i32) -> (i32, i32) {
    %c0_i32 = arith.constant 0 : i32
    %c0_i32_0 = arith.constant 0 : i32
    %c0_i32_1 = arith.constant 0 : i32
    return %c0_i32, %c0_i32_0 : i32, i32
  }
  func.func @transform_5(%arg0: i32) -> (i32, i32) {
    %c0_i32 = arith.constant 0 : i32
    %c0_i32_0 = arith.constant 0 : i32
    return %arg0, %c0_i32 : i32, i32
  }
  func.func @transform_6(%arg0: i32) -> (i32, i32) {
    %c0_i32 = arith.constant 0 : i32
    %c0_i32_0 = arith.constant 0 : i32
    return %arg0, %c0_i32 : i32, i32
  }
}

module attributes {stable_mosaic.version = 14 : i64} {
  func.func @_tc2_body(%arg0: i32, %arg1: memref<2x1000x128xf32, #tpu.memory_space<vmem>>, %arg2: memref<2x1000x128xf32, #tpu.memory_space<vmem>>, %arg3: memref<1000x128xf32, #tpu.memory_space<vmem>>, %arg4: memref<1000x128xf32, #tpu.memory_space<vmem>>, %arg5: memref<1x32xf32, #tpu.memory_space<vmem>>, %arg6: memref<1000x32xf32, #tpu.memory_space<vmem>>) attributes {dimension_semantics = [#tpu.dimension_semantics<arbitrary>], iteration_bounds = array<i64: 10>, scalar_prefetch = 0 : i64, scratch_operands = 0 : i64, tpu.core_type = #tpu.core_type<tc>, window_params = [{transform_indices = @transform_0, window_bounds = array<i64: 2, 1000, 128>}, {transform_indices = @transform_1, window_bounds = array<i64: 2, 1000, 128>}, {transform_indices = @transform_2, window_bounds = array<i64: 1000, 128>}, {transform_indices = @transform_3, window_bounds = array<i64: 1000, 128>}, {pipeline_mode = #tpu.pipeline_mode<synchronous>, transform_indices = @transform_4, window_bounds = array<i64: 1, 32>}, {transform_indices = @transform_5, window_bounds = array<i64: 1000, 32>}]} {
    %get3A = arith.constant 0 : index
    %get3A_0 = arith.constant 0 : index
    %get3A_1 = arith.constant 0 : index
    %get3A_2 = vector.load %arg1[%get3A, %get3A_0, %get3A_1] : memref<2x1000x128xf32, #tpu.memory_space<vmem>>, vector<1x1000x128xf32>
    %get3A_3 = vector.shape_cast %get3A_2 : vector<1x1000x128xf32> to vector<1000x128xf32>
    %get3A_4 = arith.constant 1 : index
    %get3A_5 = arith.constant 0 : index
    %get3A_6 = arith.constant 0 : index
    %get3A_7 = vector.load %arg1[%get3A_4, %get3A_5, %get3A_6] : memref<2x1000x128xf32, #tpu.memory_space<vmem>>, vector<1x1000x128xf32>
    %get3A_8 = vector.shape_cast %get3A_7 : vector<1x1000x128xf32> to vector<1000x128xf32>
    %add3A = arith.addf %get3A_3, %get3A_8 : vector<1000x128xf32>
    %get3A_9 = arith.constant 0 : index
    %get3A_10 = arith.constant 0 : index
    %get3A_11 = arith.constant 0 : index
    %get3A_12 = vector.load %arg2[%get3A_9, %get3A_10, %get3A_11] : memref<2x1000x128xf32, #tpu.memory_space<vmem>>, vector<1x1000x128xf32>
    %get3A_13 = vector.shape_cast %get3A_12 : vector<1x1000x128xf32> to vector<1000x128xf32>
    %get3A_14 = arith.constant 1 : index
    %get3A_15 = arith.constant 0 : index
    %get3A_16 = arith.constant 0 : index
    %get3A_17 = vector.load %arg2[%get3A_14, %get3A_15, %get3A_16] : memref<2x1000x128xf32, #tpu.memory_space<vmem>>, vector<1x1000x128xf32>
    %get3A_18 = vector.shape_cast %get3A_17 : vector<1x1000x128xf32> to vector<1000x128xf32>
    %add3A_19 = arith.addf %get3A_13, %get3A_18 : vector<1000x128xf32>
    %get3A_20 = arith.constant 0 : index
    %get3A_21 = arith.constant 0 : index
    %get3A_22 = vector.load %arg3[%get3A_20, %get3A_21] : memref<1000x128xf32, #tpu.memory_space<vmem>>, vector<1000x16xf32>
    %get3A_23 = arith.constant 0 : index
    %get3A_24 = arith.constant 16 : index
    %get3A_25 = vector.load %arg3[%get3A_23, %get3A_24] : memref<1000x128xf32, #tpu.memory_space<vmem>>, vector<1000x16xf32>
    %add3A_26 = arith.addf %get3A_22, %get3A_25 : vector<1000x16xf32>
    %mul3A = arith.constant 2.000000e-01 : f32
    %mul3A_27 = vector.broadcast %mul3A : f32 to vector<1000x16xf32>
    %mul3A_28 = arith.mulf %mul3A_27, %add3A_26 : vector<1000x16xf32>
    %max3A = arith.maximumf %add3A_26, %mul3A_28 : vector<1000x16xf32>
    %exp3A = math.exp %max3A : vector<1000x16xf32>
    %slice3A = vector.extract_strided_slice %add3A {offsets = [0, 0], sizes = [1000, 16], strides = [1, 1]} : vector<1000x128xf32> to vector<1000x16xf32>
    %add3A_29 = arith.addf %slice3A, %exp3A : vector<1000x16xf32>
    %slice3A_30 = vector.extract_strided_slice %add3A {offsets = [0, 32], sizes = [1000, 96], strides = [1, 1]} : vector<1000x128xf32> to vector<1000x96xf32>
    %slice3A_31 = vector.extract_strided_slice %add3A_19 {offsets = [0, 32], sizes = [1000, 96], strides = [1, 1]} : vector<1000x128xf32> to vector<1000x96xf32>
    %concatenate3A = tpu.concatenate %slice3A_30, %slice3A_31 in 1 : vector<1000x96xf32>, vector<1000x96xf32> -> vector<1000x192xf32>
    %get3A_32 = arith.constant 0 : index
    %get3A_33 = arith.constant 32 : index
    %get3A_34 = vector.load %arg3[%get3A_32, %get3A_33] : memref<1000x128xf32, #tpu.memory_space<vmem>>, vector<1000x96xf32>
    %get3A_35 = arith.constant 0 : index
    %get3A_36 = arith.constant 32 : index
    %get3A_37 = vector.load %arg4[%get3A_35, %get3A_36] : memref<1000x128xf32, #tpu.memory_space<vmem>>, vector<1000x96xf32>
    %concatenate3A_38 = tpu.concatenate %get3A_34, %get3A_37 in 1 : vector<1000x96xf32>, vector<1000x96xf32> -> vector<1000x192xf32>
    %broadcast_in_dim3A = arith.constant 0.000000e+00 : f32
    %broadcast_in_dim3A_39 = vector.broadcast %broadcast_in_dim3A : f32 to vector<1000x32xf32>
    %slice3A_40 = vector.extract_strided_slice %concatenate3A {offsets = [0, 0], sizes = [1000, 32], strides = [1, 1]} : vector<1000x192xf32> to vector<1000x32xf32>
    %slice3A_41 = vector.extract_strided_slice %exp3A {offsets = [0, 0], sizes = [1000, 1], strides = [1, 1]} : vector<1000x16xf32> to vector<1000x1xf32>
    %slice3A_42 = vector.extract_strided_slice %concatenate3A_38 {offsets = [0, 0], sizes = [1000, 32], strides = [1, 1]} : vector<1000x192xf32> to vector<1000x32xf32>
    %mul3A_43 = vector.broadcast %slice3A_41 : vector<1000x1xf32> to vector<1000x32xf32>
    %mul3A_44 = arith.mulf %mul3A_43, %slice3A_42 : vector<1000x32xf32>
    %add3A_45 = arith.addf %slice3A_40, %mul3A_44 : vector<1000x32xf32>
    %slice3A_46 = vector.extract_strided_slice %add3A_29 {offsets = [0, 0], sizes = [1000, 1], strides = [1, 1]} : vector<1000x16xf32> to vector<1000x1xf32>
    %add3A_47 = arith.constant 1.000000e-16 : f32
    %add3A_48 = vector.broadcast %add3A_47 : f32 to vector<1000x1xf32>
    %add3A_49 = arith.addf %slice3A_46, %add3A_48 : vector<1000x1xf32>
    %div3A = vector.broadcast %add3A_49 : vector<1000x1xf32> to vector<1000x32xf32>
    %div3A_50 = arith.divf %add3A_45, %div3A : vector<1000x32xf32>
    %add3A_51 = arith.addf %broadcast_in_dim3A_39, %div3A_50 : vector<1000x32xf32>
    %slice3A_52 = vector.extract_strided_slice %concatenate3A {offsets = [0, 32], sizes = [1000, 32], strides = [1, 1]} : vector<1000x192xf32> to vector<1000x32xf32>
    %slice3A_53 = vector.extract_strided_slice %exp3A {offsets = [0, 1], sizes = [1000, 1], strides = [1, 1]} : vector<1000x16xf32> to vector<1000x1xf32>
    %slice3A_54 = vector.extract_strided_slice %concatenate3A_38 {offsets = [0, 32], sizes = [1000, 32], strides = [1, 1]} : vector<1000x192xf32> to vector<1000x32xf32>
    %mul3A_55 = vector.broadcast %slice3A_53 : vector<1000x1xf32> to vector<1000x32xf32>
    %mul3A_56 = arith.mulf %mul3A_55, %slice3A_54 : vector<1000x32xf32>
    %add3A_57 = arith.addf %slice3A_52, %mul3A_56 : vector<1000x32xf32>
    %slice3A_58 = vector.extract_strided_slice %add3A_29 {offsets = [0, 1], sizes = [1000, 1], strides = [1, 1]} : vector<1000x16xf32> to vector<1000x1xf32>
    %add3A_59 = arith.constant 1.000000e-16 : f32
    %add3A_60 = vector.broadcast %add3A_59 : f32 to vector<1000x1xf32>
    %add3A_61 = arith.addf %slice3A_58, %add3A_60 : vector<1000x1xf32>
    %div3A_62 = vector.broadcast %add3A_61 : vector<1000x1xf32> to vector<1000x32xf32>
    %div3A_63 = arith.divf %add3A_57, %div3A_62 : vector<1000x32xf32>
    %add3A_64 = arith.addf %add3A_51, %div3A_63 : vector<1000x32xf32>
    %slice3A_65 = vector.extract_strided_slice %concatenate3A {offsets = [0, 64], sizes = [1000, 32], strides = [1, 1]} : vector<1000x192xf32> to vector<1000x32xf32>
    %slice3A_66 = vector.extract_strided_slice %exp3A {offsets = [0, 2], sizes = [1000, 1], strides = [1, 1]} : vector<1000x16xf32> to vector<1000x1xf32>
    %slice3A_67 = vector.extract_strided_slice %concatenate3A_38 {offsets = [0, 64], sizes = [1000, 32], strides = [1, 1]} : vector<1000x192xf32> to vector<1000x32xf32>
    %mul3A_68 = vector.broadcast %slice3A_66 : vector<1000x1xf32> to vector<1000x32xf32>
    %mul3A_69 = arith.mulf %mul3A_68, %slice3A_67 : vector<1000x32xf32>
    %add3A_70 = arith.addf %slice3A_65, %mul3A_69 : vector<1000x32xf32>
    %slice3A_71 = vector.extract_strided_slice %add3A_29 {offsets = [0, 2], sizes = [1000, 1], strides = [1, 1]} : vector<1000x16xf32> to vector<1000x1xf32>
    %add3A_72 = arith.constant 1.000000e-16 : f32
    %add3A_73 = vector.broadcast %add3A_72 : f32 to vector<1000x1xf32>
    %add3A_74 = arith.addf %slice3A_71, %add3A_73 : vector<1000x1xf32>
    %div3A_75 = vector.broadcast %add3A_74 : vector<1000x1xf32> to vector<1000x32xf32>
    %div3A_76 = arith.divf %add3A_70, %div3A_75 : vector<1000x32xf32>
    %add3A_77 = arith.addf %add3A_64, %div3A_76 : vector<1000x32xf32>
    %slice3A_78 = vector.extract_strided_slice %concatenate3A {offsets = [0, 96], sizes = [1000, 32], strides = [1, 1]} : vector<1000x192xf32> to vector<1000x32xf32>
    %slice3A_79 = vector.extract_strided_slice %exp3A {offsets = [0, 3], sizes = [1000, 1], strides = [1, 1]} : vector<1000x16xf32> to vector<1000x1xf32>
    %slice3A_80 = vector.extract_strided_slice %concatenate3A_38 {offsets = [0, 96], sizes = [1000, 32], strides = [1, 1]} : vector<1000x192xf32> to vector<1000x32xf32>
    %mul3A_81 = vector.broadcast %slice3A_79 : vector<1000x1xf32> to vector<1000x32xf32>
    %mul3A_82 = arith.mulf %mul3A_81, %slice3A_80 : vector<1000x32xf32>
    %add3A_83 = arith.addf %slice3A_78, %mul3A_82 : vector<1000x32xf32>
    %slice3A_84 = vector.extract_strided_slice %add3A_29 {offsets = [0, 3], sizes = [1000, 1], strides = [1, 1]} : vector<1000x16xf32> to vector<1000x1xf32>
    %add3A_85 = arith.constant 1.000000e-16 : f32
    %add3A_86 = vector.broadcast %add3A_85 : f32 to vector<1000x1xf32>
    %add3A_87 = arith.addf %slice3A_84, %add3A_86 : vector<1000x1xf32>
    %div3A_88 = vector.broadcast %add3A_87 : vector<1000x1xf32> to vector<1000x32xf32>
    %div3A_89 = arith.divf %add3A_83, %div3A_88 : vector<1000x32xf32>
    %add3A_90 = arith.addf %add3A_77, %div3A_89 : vector<1000x32xf32>
    %slice3A_91 = vector.extract_strided_slice %concatenate3A {offsets = [0, 128], sizes = [1000, 32], strides = [1, 1]} : vector<1000x192xf32> to vector<1000x32xf32>
    %slice3A_92 = vector.extract_strided_slice %exp3A {offsets = [0, 4], sizes = [1000, 1], strides = [1, 1]} : vector<1000x16xf32> to vector<1000x1xf32>
    %slice3A_93 = vector.extract_strided_slice %concatenate3A_38 {offsets = [0, 128], sizes = [1000, 32], strides = [1, 1]} : vector<1000x192xf32> to vector<1000x32xf32>
    %mul3A_94 = vector.broadcast %slice3A_92 : vector<1000x1xf32> to vector<1000x32xf32>
    %mul3A_95 = arith.mulf %mul3A_94, %slice3A_93 : vector<1000x32xf32>
    %add3A_96 = arith.addf %slice3A_91, %mul3A_95 : vector<1000x32xf32>
    %slice3A_97 = vector.extract_strided_slice %add3A_29 {offsets = [0, 4], sizes = [1000, 1], strides = [1, 1]} : vector<1000x16xf32> to vector<1000x1xf32>
    %add3A_98 = arith.constant 1.000000e-16 : f32
    %add3A_99 = vector.broadcast %add3A_98 : f32 to vector<1000x1xf32>
    %add3A_100 = arith.addf %slice3A_97, %add3A_99 : vector<1000x1xf32>
    %div3A_101 = vector.broadcast %add3A_100 : vector<1000x1xf32> to vector<1000x32xf32>
    %div3A_102 = arith.divf %add3A_96, %div3A_101 : vector<1000x32xf32>
    %add3A_103 = arith.addf %add3A_90, %div3A_102 : vector<1000x32xf32>
    %slice3A_104 = vector.extract_strided_slice %concatenate3A {offsets = [0, 160], sizes = [1000, 32], strides = [1, 1]} : vector<1000x192xf32> to vector<1000x32xf32>
    %slice3A_105 = vector.extract_strided_slice %exp3A {offsets = [0, 5], sizes = [1000, 1], strides = [1, 1]} : vector<1000x16xf32> to vector<1000x1xf32>
    %slice3A_106 = vector.extract_strided_slice %concatenate3A_38 {offsets = [0, 160], sizes = [1000, 32], strides = [1, 1]} : vector<1000x192xf32> to vector<1000x32xf32>
    %mul3A_107 = vector.broadcast %slice3A_105 : vector<1000x1xf32> to vector<1000x32xf32>
    %mul3A_108 = arith.mulf %mul3A_107, %slice3A_106 : vector<1000x32xf32>
    %add3A_109 = arith.addf %slice3A_104, %mul3A_108 : vector<1000x32xf32>
    %slice3A_110 = vector.extract_strided_slice %add3A_29 {offsets = [0, 5], sizes = [1000, 1], strides = [1, 1]} : vector<1000x16xf32> to vector<1000x1xf32>
    %add3A_111 = arith.constant 1.000000e-16 : f32
    %add3A_112 = vector.broadcast %add3A_111 : f32 to vector<1000x1xf32>
    %add3A_113 = arith.addf %slice3A_110, %add3A_112 : vector<1000x1xf32>
    %div3A_114 = vector.broadcast %add3A_113 : vector<1000x1xf32> to vector<1000x32xf32>
    %div3A_115 = arith.divf %add3A_109, %div3A_114 : vector<1000x32xf32>
    %add3A_116 = arith.addf %add3A_103, %div3A_115 : vector<1000x32xf32>
    %mul3A_117 = arith.constant 0.166666672 : f32
    %mul3A_118 = vector.broadcast %mul3A_117 : f32 to vector<1000x32xf32>
    %mul3A_119 = arith.mulf %add3A_116, %mul3A_118 : vector<1000x32xf32>
    %get3A_120 = arith.constant 0 : index
    %get3A_121 = arith.constant 0 : index
    %get3A_122 = vector.load %arg5[%get3A_120, %get3A_121] : memref<1x32xf32, #tpu.memory_space<vmem>>, vector<1x32xf32>
    %add3A_123 = vector.broadcast %get3A_122 : vector<1x32xf32> to vector<1000x32xf32>
    %add3A_124 = arith.addf %mul3A_119, %add3A_123 : vector<1000x32xf32>
    %logistic3A = arith.negf %add3A_124 : vector<1000x32xf32>
    %logistic3A_125 = math.exp %logistic3A : vector<1000x32xf32>
    %logistic3A_126 = arith.constant 1.000000e+00 : f32
    %logistic3A_127 = vector.broadcast %logistic3A_126 : f32 to vector<1000x32xf32>
    %logistic3A_128 = arith.addf %logistic3A_127, %logistic3A_125 : vector<1000x32xf32>
    %logistic3A_129 = arith.divf %logistic3A_127, %logistic3A_128 : vector<1000x32xf32>
    %swap3A = arith.constant 0 : index
    %swap3A_130 = arith.constant 0 : index
    %swap3A_131 = vector.load %arg6[%swap3A, %swap3A_130] : memref<1000x32xf32, #tpu.memory_space<vmem>>, vector<1000x32xf32>
    tpu.vector_store %arg6[%swap3A, %swap3A_130], %logistic3A_129 {strides = array<i32>} : memref<1000x32xf32, #tpu.memory_space<vmem>>, vector<1000x32xf32>,
    return
  }
  func.func @transform_0(%arg0: i32) -> (i32, i32, i32) {
    %c0_i32 = arith.constant 0 : i32
    %c0_i32_0 = arith.constant 0 : i32
    %c0_i32_1 = arith.constant 0 : i32
    return %c0_i32, %arg0, %c0_i32_0 : i32, i32, i32
  }
  func.func @transform_1(%arg0: i32) -> (i32, i32, i32) {
    %c0_i32 = arith.constant 0 : i32
    %c0_i32_0 = arith.constant 0 : i32
    %c0_i32_1 = arith.constant 0 : i32
    return %c0_i32, %arg0, %c0_i32_0 : i32, i32, i32
  }
  func.func @transform_2(%arg0: i32) -> (i32, i32) {
    %c0_i32 = arith.constant 0 : i32
    %c0_i32_0 = arith.constant 0 : i32
    return %arg0, %c0_i32 : i32, i32
  }
  func.func @transform_3(%arg0: i32) -> (i32, i32) {
    %c0_i32 = arith.constant 0 : i32
    %c0_i32_0 = arith.constant 0 : i32
    return %arg0, %c0_i32 : i32, i32
  }
  func.func @transform_4(%arg0: i32) -> (i32, i32) {
    %c0_i32 = arith.constant 0 : i32
    %c0_i32_0 = arith.constant 0 : i32
    %c0_i32_1 = arith.constant 0 : i32
    return %c0_i32, %c0_i32_0 : i32, i32
  }
  func.func @transform_5(%arg0: i32) -> (i32, i32) {
    %c0_i32 = arith.constant 0 : i32
    %c0_i32_0 = arith.constant 0 : i32
    return %arg0, %c0_i32 : i32, i32
  }
}

</mosaic_0001>

<sc_bundles>
// kernel: kernel.5.cloned.1.call-start
scs
__scs_entry_jumppad:
0x0: {  	(pc) =	sbr.rel $0x88, $3  }
0x1: {  	(tag) =	ssettag $0x0;
	lr =	simm.s32 $0x1  }
0x2: {  	[smem:$0x3F97] =	sst lr;
	_ =	strace $0xD0000000  }
0x3: {  	_ = 	snop  }
0x4: {  	_ = 	snop  }
0x5: {  	_ = 	snop  }
0x6: {  	_ = 	snop  }
0x7: {  	_ = 	snop  }
__scs_overlays_trampoline_lowered:
0x8: {  	[smem:$0x3FA6] =	sst s0  }
0x9: {  	[smem:$0x3FA7] =	sst s1  }
0xa: {  	[smem:$0x3FA8] =	sst s2  }
0xb: {  	[smem:$0x3FA9] =	sst s3  }
0xc: {  	[smem:$0x3FAA] =	sst s4  }
0xd: {  	[smem:$0x3FAB] =	sst s5  }
0xe: {  	[smem:$0x3FAC] =	sst s6  }
0xf: {  	[smem:$0x3FAD] =	sst s7  }
0x10: {  	[smem:$0x3FAE] =	sst s8  }
0x11: {  	[smem:$0x3FAF] =	sst s9;
	s0 =	simm.s32 @!p0 $0x0  }
0x12: {  	s1 =	sld [smem:$0x3F95];
	s0 =	simm.s32 @p0 $0x1  }
0x13: {  	[smem:$0x3FB0] =	sst s0;
	s0 =	simm.s32 @!p1 $0x0  }
0x14: {  	s2 =	sld [smem:$0x3F94];
	s0 =	simm.s32 @p1 $0x1  }
0x15: {  	[smem:$0x3FB1] =	sst s0;
	s0 =	simm.s32 @!p2 $0x0  }
0x16: {  	s3 =	sld [smem:$0x3FDB];
	s0 =	simm.s32 @p2 $0x1  }
0x17: {  	s4 =	simm.s32 $0x1BF5;
	[smem:$0x3FB3] =	sst s0  }
0x18: {  	s0 =	sld [smem:$0x3F96];
	_ =	swait.ge [sflag:s4], $0x0  }
0x19: {  	s7 =	sld [smem:$0x3F97]  }
0x1a: {  	s8 =	sadd.s32 $0xFFFFE003, lr  }
0x1b: {  	s9 =	sadd.s32 $0xFFFFFEF7, lr;
	s5 =	simm.s32 $0xFFFFFFFF;
	p2 =	slt.u32 s8, $0xFFFFF086  }
0x1c: {  	p1 =	slt.u32 s9, $0xF7A;
	s5 =	simm.s32 @!p2 $0x0  }
0x1d: {  	s5 =	simm.s32 @p1 $0x1;
	p0 =	seq.s32 s7, s2  }
0x1e: {  	s7 =	smul.u32 @!p0 $0xF7A, s2;
	p2 =	seq.s32 @!p0 s5, $0x0  }
0x1f: {  	s9 =	smul.u32 $0xF7A, s1;
	s8 =	simm.s32 @!p0 $0x1BF5;
	p2 =	por !p2, p0  }
0x20: {  	[sflag:s8] =	ssyncset.s32 @!p0 $0xFFFFF086;
	s6 =	sadd.s32 @!p0 s3, s7;
	s7 =	simm.s32 @!p0 $0x108  }
0x21: {  	s3 =	sadd.s32 s3, s9;
	s6 =	sadd.s32 @!p0 $0x88, s6;
	s7 =	simm.s32 @p2 $0x1082  }
0x22: {  	[simem:s7], [sflag:s8] =	dma.local @!p0 [hbm:s6], $0xF7A  }
0x23: {  	s9 =	sor.u32 $0xD0000000, s2;
	s6 =	simm.s32 $0x108;
	_ =	swait.ge @!p0 [sflag:s8], $0x0  }
0x24: {  	s3 =	sadd.s32 $0x88, s3;
	s6 =	simm.s32 @!p1 $0x1082;
	[sflag:s4] =	ssyncset.s32 $0xFFFFF086  }
0x25: {  	[simem:s6], [sflag:s4] =	dma.local [hbm:s3], $0xF7A  }
0x26: {  	[smem:$0x3F97] =	sst s1;
	(tag) =	ssettag s2;
	_ =	strace s9  }
0x27: {  	s1 =	sld [smem:$0x3FA7]  }
0x28: {  	s2 =	sld [smem:$0x3FA8]  }
0x29: {  	s4 =	sld [smem:$0x3FAA]  }
0x2a: {  	p0 =	seq.s32 s5, $0x0;
	s5 =	sld [smem:$0x3FAB]  }
0x2b: {  	s6 =	sld [smem:$0x3FAC]  }
0x2c: {  	s7 =	sld [smem:$0x3FAD]  }
0x2d: {  	s3 =	simm.s32 $0x108;
	s8 =	sld [smem:$0x3FAE]  }
0x2e: {  	s3 =	simm.s32 @!p0 $0x1082;
	s9 =	sld [smem:$0x3FAF]  }
0x2f: {  	lr =	sadd.s32 s0, s3;
	s0 =	sld [smem:$0x3FA6]  }
0x30: {  	s3 =	sld [smem:$0x3FA9]  }
0x31: {  	[smem:$0x3FB2] =	sst s10  }
0x32: {  	s10 =	sld [smem:$0x3FB0];
	_ =	sdelay $0x3  }
0x33: {  	p0 =	seq.s32 s10, $0x1;
	s10 =	sld [smem:$0x3FB2];
	_ =	sdelay $0x3  }
0x34: {  	[smem:$0x3FB2] =	sst s10  }
0x35: {  	s10 =	sld [smem:$0x3FB1];
	_ =	sdelay $0x3  }
0x36: {  	p1 =	seq.s32 s10, $0x1;
	s10 =	sld [smem:$0x3FB2];
	_ =	sdelay $0x3  }
0x37: {  	[smem:$0x3FB2] =	sst s10  }
0x38: {  	s10 =	sld [smem:$0x3FB3]  }
0x39: {  	_ = 	snop;
	(pc) =	sbr.ind lr, $3  }
0x3a: {  	_ = 	snop  }
0x3b: {  	_ = 	snop  }
0x3c: {  	p2 =	seq.s32 s10, $0x1;
	s10 =	sld [smem:$0x3FB2]  }
0x3d: {  	_ =	shalt  }
0x3e: {  	_ =	shalt  }
0x3f: {  	_ =	shalt  }
0x40: {  	_ =	shalt  }
0x41: {  	_ =	shalt  }
0x42: {  	_ =	shalt  }
0x43: {  	_ =	shalt  }
0x44: {  	_ =	shalt  }
0x45: {  	_ =	shalt  }
0x46: {  	_ =	shalt  }
0x47: {  	_ =	shalt  }
0x48: {  	_ =	shalt  }
0x49: {  	_ =	shalt  }
0x4a: {  	_ =	shalt  }
0x4b: {  	_ =	shalt  }
0x4c: {  	_ =	shalt  }
0x4d: {  	_ =	shalt  }
0x4e: {  	_ =	shalt  }
0x4f: {  	_ =	shalt  }
0x50: {  	_ =	shalt  }
0x51: {  	_ =	shalt  }
0x52: {  	_ =	shalt  }
0x53: {  	_ =	shalt  }
0x54: {  	_ =	shalt  }
0x55: {  	_ =	shalt  }
0x56: {  	_ =	shalt  }
0x57: {  	_ =	shalt  }
0x58: {  	_ =	shalt  }
0x59: {  	_ =	shalt  }
0x5a: {  	_ =	shalt  }
0x5b: {  	_ =	shalt  }
0x5c: {  	_ =	shalt  }
0x5d: {  	_ =	shalt  }
0x5e: {  	_ =	shalt  }
0x5f: {  	_ =	shalt  }
0x60: {  	_ =	shalt  }
0x61: {  	_ =	shalt  }
0x62: {  	_ =	shalt  }
0x63: {  	_ =	shalt  }
0x64: {  	_ =	shalt  }
0x65: {  	_ =	shalt  }
0x66: {  	_ =	shalt  }
0x67: {  	_ =	shalt  }
0x68: {  	_ =	shalt  }
0x69: {  	_ =	shalt  }
0x6a: {  	_ =	shalt  }
0x6b: {  	_ =	shalt  }
0x6c: {  	_ =	shalt  }
0x6d: {  	_ =	shalt  }
0x6e: {  	_ =	shalt  }
0x6f: {  	_ =	shalt  }
0x70: {  	_ =	shalt  }
0x71: {  	_ =	shalt  }
0x72: {  	_ =	shalt  }
0x73: {  	_ =	shalt  }
0x74: {  	_ =	shalt  }
0x75: {  	_ =	shalt  }
0x76: {  	_ =	shalt  }
0x77: {  	_ =	shalt  }
0x78: {  	_ =	shalt  }
0x79: {  	_ =	shalt  }
0x7a: {  	_ =	shalt  }
0x7b: {  	_ =	shalt  }
0x7c: {  	_ =	shalt  }
0x7d: {  	_ =	shalt  }
0x7e: {  	_ =	shalt  }
0x7f: {  	_ =	shalt  }
0x80: {  	_ =	shalt  }
0x81: {  	_ =	shalt  }
0x82: {  	_ =	shalt  }
0x83: {  	_ =	shalt  }
0x84: {  	_ =	shalt  }
0x85: {  	_ =	shalt  }
0x86: {  	_ =	shalt  }
0x87: {  	_ =	shalt  }
.Lfunc_end0:
.L_simem_size_0:
called_computation_lowered:
.L_overlay_start_0:
0x88: {  	s2 =	sld [smem:$0x3FD9]  }
0x89: {  	s3 =	sld [smem:$0x3FFE];
	_ =	sdelay $0x1  }
0x8a: {  	s1 =	srdreg.scid  }
0x8b: {  	s0 =	sand.u32 $0x1, s1  }
0x8c: {  	s17 =	sshll.u32 s0, $0xA;
	s2 =	sadd.s32 s3, s2  }
0x8d: {  	s2 =	sadd.s32 s2, s17  }
0x8e: {  	[smem:$0x3FBE] =	sst s2  }
0x8f: {  	_ = 	snop  }
0x90: {  	s2 =	sld [smem:$0x3FD0];
	(tm) =	ssettm $0x1  }
0x91: {  	s18 =	sld [smem:$0x3FFB];
	_ =	sdelay $0x3  }
0x92: {  	_ =	strace s18  }
0x93: {  	s3 =	sld [smem:$0x3FFC];
	_ =	sdelay $0x3  }
0x94: {  	_ =	strace s3  }
0x95: {  	s3 =	sld [smem:$0x3FFD];
	_ =	sdelay $0x3  }
0x96: {  	_ =	strace s3  }
0x97: {  	_ =	strace $0x8FFFFFFF  }
0x98: {  	s19 =	sld [smem:$0x3FDB];
	_ =	sdelay $0x1  }
0x99: {  	s4 =	simm.s32 $_scs_section_size  }
0x9a: {  	s5 =	simm.s32 $_size__tile_overlayer_lowered;
	s6 =	simm.s32 $_tile_overlayer_lowered  }
0x9b: {  	s22 =	simm.s32 $0x1BFF;
	s21 =	sshll.u32 s6, $0x1;
	s3 =	sadd.s32 s4, s19  }
0x9c: {  	s7 =	simm.s32 $0x0;
	s20 =	sshll.u32 s5, $0x1;
	s5 =	sadd.s32 s21, s3  }
0x9d: {  	[timem:s7], [sflag:s22] =	dma.local [hbm:s5], s20  }
0x9e: {  	_ =	swait.ge [sflag:s22], s20  }
0x9f: {  	s4 =	ssub.s32 $0x0, s20;
	[sflag:s22] =	ssyncset.done $0x0  }
0xa0: {  	[sflag:s22] =	ssyncadd.s32 s4;
	_ =	sdelay $0x1  }
0xa1: {  	s23 =	simm.s32 $0x1B8B  }
0xa2: {  	_ =	swait.ge [sflag:s23], $0x1  }
0xa3: {  	[sflag:s23] =	ssyncset.done $0x0  }
0xa4: {  	s25 =	simm.s32 $0x1B8E;
	s24 =	sld [smem:$0x3FFE];
	[sflag:s23] =	ssyncadd.s32 $0xFFFFFFFF  }
0xa5: {  	s26 =	simm.s32 $execute0_lowered;
	[smem:$0x3FD2] =	sst s25  }
0xa6: {  	s5 =	sshll.u32 s26, $0x1;
	_ =	strace $0x80000046;
	[dreg:$0x1] =	wrdreg $0xFFFFFFFF  }
0xa7: {  	s28 =	simm.s32 $_size_execute0_lowered;
	s3 =	sadd.s32 s3, s5;
	[dreg:$0x0] =	wrdreg $0x0  }
0xa8: {  	s5 =	sshll.u32 s28, $0x1;
	[dreg:$0x2] =	wrdreg s3  }
0xa9: {  	[dreg:$0x3] =	wrdreg s5  }
0xaa: {  	[dreg:$0x4] =	wrdreg $0xC0  }
0xab: {  	_ =	task [dreg:s7], $0x5FFFF  }
0xac: {  	[dreg:$0x1] =	wrdreg $0xFFFFFFFF  }
0xad: {  	[dreg:$0x0] =	wrdreg $0x60  }
0xae: {  	[dreg:$0x2] =	wrdreg s24  }
0xaf: {  	[dreg:$0x3] =	wrdreg s2  }
0xb0: {  	[dreg:$0x4] =	wrdreg $0x79000  }
0xb1: {  	[dreg:$0x5] =	wrdreg $0x9  }
0xb2: {  	_ =	task.clear_ibuf [dreg:s7], $0x6FFFF;
	_ =	strace $0x90000046  }
0xb3: {  	s29 =	simm.s32 $0x9;
	_ =	strace $0x80000048  }
0xb4: {  	_ =	swait.ge [sflag:s29], $0x1  }
0xb5: {  	[sflag:s29] =	ssyncadd.s32 $0xFFFFFFFF  }
0xb6: {  	_ =	strace $0x90000048  }
0xb7: {  	_ =	sfence  }
0xb8: {  	s30 =	sld [smem:$0x0];
	_ =	sdelay $0x2  }
0xb9: {  	s31 =	sshll.u32 s1, $0xD;
	s1 =	sshrl.u32 s1, $0x2  }
0xba: {  	s3 =	sand.u32 $0x4000, s31;
	s1 =	sadd.s32 s1, s30  }
0xbb: {  	s0 =	sor.u32 s3, s0;
	s1 =	sshll.u32 s1, $0x11  }
0xbc: {  	s0 =	sor.u32 s1, s0  }
0xbd: {  	s0 =	sadd.s32 $0x8F2B, s0  }
0xbe: {  	[sflag:s0] =	ssyncadd.remote.s32 $0x1  }
0xbf: {  	_ =	sfence.sel $0xFFFF  }
0xc0: {  	[dreg:$0x0] =	wrdreg $0xFFFFFFFF;
	(pc) =	sbr.abs _section_cstart, $3  }
0xc1: {  	[dreg:$0x1] =	wrdreg $0xFFFFFFFF  }
0xc2: {  	_ =	task.clear_ibuf [dreg:s7], $0x2FFFF;
	_ =	strace $0x9FFFFFFF  }
0xc3: {  	(tm) =	ssettm $0x7FFFFFFF  }
tec
execute0_lowered:
.L_overlay_start_1:
0x0: {  	(tag) =	ssettag $0x1  }
0x1: {  	s0 =	rddreg [dreg:$0x0]  }
0x2: {  	s2 =	rddreg [dreg:$0x1]  }
0x3: {  	s3 =	rddreg [dreg:$0x2];
	s4 =	simm.s32 $0x0  }
0x4: {  	s1 =	stileid.u32;
	s25 =	srdreg.scid;
	s19 =	simm.s32 $0x1  }
0x5: {  	s20 =	simm.s32 $0x80;
	s21 =	simm.s32 $0x50;
	s22 =	simm.s32 $0x100  }
0x6: {  	s23 =	simm.s32 $0x2900;
	s24 =	simm.s32 $0x5100;
	[smem:$0x7FF] =	sst s4  }
0x7: {  	s8 =	smul.u32 $0x2780, s1;
	s5 =	sadd.s32 $0x33000, s0;
	s6 =	sadd.s32 $0xBE00, s0  }
0x8: {  	s7 =	sadd.s32 $0x2000, s0;
	s12 =	sadd.s32 $0x81400, s0;
	s10 =	smul.u32 $0x4F000, s1  }
0x9: {  	s15 =	smul.u32 $0x13C00, s1;
	s17 =	sadd.s32 $0x128400, s3;
	p0 =	seq.s32 s1, $0xF  }
0xa: {  	_ =	strace $0x80000047;
	s9 =	sadd.s32 s8, s0;
	s8 =	sand.u32 $0x1, s25  }
0xb: {  	s10 =	sshrl.u32 s10, $0x2;
	s11 =	ssub.s32 $0x2, s8;
	s13 =	sshll.u32 s8, $0x4  }
0xc: {  	s14 =	smul.u32 $0x138800, s8;
	s18 =	sadd.s32 s10, s3;
	s9 =	sadd.s32 $0x5A200, s9  }
0xd: {  	s10 =	sadd.s32 $0x7F280, s0;
	s0 =	sshll.u32 @!p0 s1, $0x6;
	s26 =	sshrl.u32 s11, $0x1  }
0xe: {  	s13 =	sor.u32 s1, s13;
	s18 =	sshrl.u32 @!p0 s18, $0x3;
	s16 =	ssub.s32 s11, s26  }
0xf: {  	s8 =	smul.u32 $0x2710, s13;
	s28 =	sadd.s32 s15, s14;
	s30 =	sshrl.u32 s14, $0x3  }
0x10: {  	s29 =	sshrl.u32 s28, $0x3;
	s31 =	sadd.s32 s12, s30;
	s15 =	smax.u32 s16, $0x1  }
0x11: {  	s16 =	sshrl.u32 @p0 s17, $0x3;
	s17 =	sor.u32 @!p0 $0x1C01, s0;
	s11 =	sadd.s32 s12, s29  }
0x12: {  	v0 =	vimm.f32 $0.0e+00;
	s12 =	sadd.s32 $0x25080, s31;
	s14 =	sadd.s32 $0x73280, s31;
	s13 =	sadd.s32 $0x4E200, s11  }
.LBB2_1:
0x13: {  	s0 =	simm.s32 @p0 $0x1FC1  }
0x14: {  	[spmem:s16], [sflag:s0] =	dma.local @p0 [hbm:s10], $0x2080  }
0x15: {  	s0 =	simm.s32 @p0 $0x1  }
0x16: {  	_ =	swait.ge @p0 [sflag:s0], $0x2080  }
0x17: {  	[sflag:s0] =	ssyncset.done @p0 $0x0  }
0x18: {  	[sflag:s0] =	ssyncadd.s32 @p0 $0xFFFFDF80;
	s0 =	simm.s32 @!p0 $0x1  }
0x19: {  	[spmem:s18], [sflag:s17] =	dma.local @!p0 [hbm:s9], $0x2780  }
0x1a: {  	_ =	swait.ge @!p0 [sflag:s0], $0x2780  }
0x1b: {  	[sflag:s0] =	ssyncset.done @!p0 $0x0  }
0x1c: {  	[sflag:s0] =	ssyncadd.s32 @!p0 $0xFFFFD880  }
0x1d: {  	s25 =	simm.s32 $0x0;
	[bflag:$0x0] =	sbarrier.arrive $0xFFFF  }
.LBB2_2:
0x1e: {  	s0 =	smul.u32 $0x50, s25;
	_ =	sdelay $0x1  }
0x1f: {  	s0 =	sadd.s32 s8, s0  }
0x20: {  	s0 =	sshrl.u32 s0, $0x3  }
0x21: {  	s28 =	simm.s32 $0x0;
	s26 =	sadd.s32 s7, s0  }
0x22: {  	[tilespmem:s28], [sflag:$0x1] =	stream.linear.gather [hbm4b:s26+s28], $0x50, $0x38;
	[tilespmem:$0x1B180] =	vst v63  }
0x23: {  	_ =	swait.ge [sflag:s19], $0x50  }
0x24: {  	[sflag:s19] =	ssyncset.done $0x0  }
0x25: {  	s0 =	sadd.s32 s2, s0;
	[sflag:s19] =	ssyncadd.s32 $0xFFFFFFB0  }
0x26: {  	[tilespmem:s20], [sflag:$0x1] =	stream.linear.gather [hbm4b:s0+s28], $0x50, $0x38;
	[tilespmem:$0x1B180] =	vst v63  }
0x27: {  	_ =	swait.ge [sflag:s19], $0x50  }
0x28: {  	[sflag:s19] =	ssyncset.done $0x0  }
0x29: {  	[sflag:s19] =	ssyncadd.s32 $0xFFFFFFB0  }
0x2a: {  	[tilespmem:s22], [sflag:$0x1] =	stream.indirect.gather [hbm4b:s5+s21], $0x80, s28, s21, $0xb8;
	[tilespmem:$0x1B180] =	vst v63  }
0x2b: {  	_ =	swait.ge [sflag:s19], $0x2800  }
0x2c: {  	[sflag:s19] =	ssyncset.done $0x0  }
0x2d: {  	[sflag:s19] =	ssyncadd.s32 $0xFFFFD800  }
0x2e: {  	[tilespmem:s23], [sflag:$0x1] =	stream.indirect.gather [hbm4b:s5+s21], $0x80, s20, s21, $0xb8;
	[tilespmem:$0x1B180] =	vst v63  }
0x2f: {  	_ =	swait.ge [sflag:s19], $0x2800  }
0x30: {  	[sflag:s19] =	ssyncset.done $0x0  }
0x31: {  	s29 =	simm.s32 $0x0;
	[sflag:s19] =	ssyncadd.s32 $0xFFFFD800  }
0x32: {  	v1 =	vld [tilespmem:s29+$0x100]  }
0x33: {  	v2 =	vld [tilespmem:s29+$0x2910];
	_ =	sdelay $0x2  }
0x34: {  	v12 =	vld [tilespmem:s29+$0x120]  }
0x35: {  	v15 =	vld [tilespmem:s29+$0x130]  }
0x36: {  	v13 =	vld [tilespmem:s29+$0x140];
	v1 =	vadd.f32 v2, v1  }
0x37: {  	s28 =	simm.s32 $0x80;
	[tilespmem:s29+$0x5110] =	vst v0;
	v14 =	vld [tilespmem:s29+$0x150]  }
0x38: {  	v3 =	vld [tilespmem:s28+$0x100];
	v2 =	vmul.f32 $2.000000030e-01, v1  }
0x39: {  	v5 =	vld [tilespmem:s28+$0x2910]  }
0x3a: {  	s26 =	simm.s32 $0x100;
	v11 =	vld [tilespmem:s29+$0x160];
	[tilespmem:s28+$0x5110] =	vst v0;
	v1 =	vmax.f32 v1, v2  }
0x3b: {  	v9 =	vld [tilespmem:s26+$0x100];
	v1 =	vmul.f32 $1.442695020e+00, v1  }
0x3c: {  	v10 =	vld [tilespmem:s26+$0x2910]  }
0x3d: {  	v6 =	vld [tilespmem:s28+$0x120];
	(erf) = vpow2.f32 v1  }
0x3e: {  	v4 =	vld [tilespmem:s28+$0x130];
	v1 =	vadd.f32 v5, v3  }
0x3f: {  	v8 =	vld [tilespmem:s28+$0x140]  }
0x40: {  	v7 =	vld [tilespmem:s28+$0x160];
	v5 =	vmul.f32 $2.000000030e-01, v1  }
0x41: {  	v19 =	vadd.f32 v10, v9;
	v10 =	vld [tilespmem:s26+$0x150]  }
0x42: {  	v2 =	vld [tilespmem:s28+$0x150];
	[tilespmem:s26+$0x5110] =	vst v0;
	v5 =	vmax.f32 v1, v5  }
0x43: {  	v18 =	vld [tilespmem:s29+$0x170];
	v16 =	vmul.f32 $1.442695020e+00, v5  }
0x44: {  	v3 =	vld [tilespmem:s26+$0x120]  }
0x45: {  	v9 =	vld [tilespmem:s26+$0x160];
	(erf) = vpow2.f32 v16  }
0x46: {  	v1 =	vld [tilespmem:s26+$0x130];
	v22 =	vpop (erf)  }
0x47: {  	s30 =	simm.s32 $0x180;
	v5 =	vld [tilespmem:s26+$0x140];
	v20 =	vbroadcast v22, $0x0;
	v17 =	vbroadcast v22, $0x2  }
0x48: {  	s31 =	simm.s32 $0x800;
	v23 =	vmul.f32 $2.000000030e-01, v19;
	v16 =	vld [tilespmem:s30+$0x100];
	v21 =	vbroadcast v22, $0x1  }
.LBB2_3:
0x49: {  	p1 =	sne.s32 s31, $0x9E00;
	v24 =	vld [tilespmem:s30+$0x2910];
	[tilespmem:s29+$0x5100] =	vst v22;
	v22 =	vmul.f32 v20, v12;
	v18 =	vmul.f32 v18, v17;
	v12 =	vmovc v6;
	v6 =	vmov v3;
	s0 =	smov.u32 s26;
	s26 =	smov.u32 s30  }
0x4a: {  	v20 =	vmul.f32 v20, v15;
	[tilespmem:s26+$0x5110] =	vst v0;
	v3 =	vld [tilespmem:s26+$0x120];
	v19 =	vmax.f32 v19, v23;
	v23 =	vmul.f32 v13, v21  }
0x4b: {  	v15 =	vmovc v4;
	v4 =	vmovc v1;
	v21 =	vmul.f32 v14, v21;
	v13 =	vmov v8;
	v19 =	vmul.f32 $1.442695020e+00, v19;
	[tilespmem:s29+$0x5170] =	vst v18;
	v1 =	vld [tilespmem:s26+$0x130]  }
.Ltmp0:
0x4c: {  	v25 =	vmul.f32 v11, v17;
	v11 =	vmovc v7;
	v8 =	vmovc v5;
	v14 =	vmov v2;
	v2 =	vmov v10;
	v18 =	vld [tilespmem:s28+$0x170];
	[tilespmem:s29+$0x5120] =	vst v22;
	(pc) =	sbr.rel @p1 .LBB2_3-.Ltmp0, $4  }
0x4d: {  	v7 =	vmov v9;
	v5 =	vld [tilespmem:s26+$0x140];
	(erf) = vpow2.f32 v19;
	[tilespmem:s29+$0x5130] =	vst v20  }
0x4e: {  	v19 =	vadd.f32 v24, v16;
	v10 =	vld [tilespmem:s26+$0x150];
	v22 =	vpop (erf);
	[tilespmem:s29+$0x5140] =	vst v23  }
0x4f: {  	s30 =	sshra.s32 s31, $0x2;
	v9 =	vld [tilespmem:s26+$0x160];
	v20 =	vbroadcast v22, $0x0;
	v17 =	vbroadcast v22, $0x2;
	[tilespmem:s29+$0x5150] =	vst v21  }
0x50: {  	s31 =	sadd.s32 $0x200, s31;
	v21 =	vbroadcast v22, $0x1;
	v16 =	vld [tilespmem:s30+$0x100];
	v23 =	vmul.f32 $2.000000030e-01, v19;
	[tilespmem:s29+$0x5160] =	vst v25;
	s29 =	smov.u32 s28;
	s28 =	smov.u32 s0  }
0x51: {  	v24 =	vld [tilespmem:s30+$0x2910];
	[tilespmem:s29+$0x5100] =	vst v22;
	v18 =	vmul.f32 v18, v17  }
0x52: {  	[tilespmem:s30+$0x5110] =	vst v0;
	v22 =	vld [tilespmem:s30+$0x120];
	v19 =	vmax.f32 v19, v23  }
0x53: {  	v12 =	vmul.f32 v20, v12;
	v25 =	vld [tilespmem:s30+$0x130];
	[tilespmem:s29+$0x5170] =	vst v18;
	v46 =	vmul.f32 $1.442695020e+00, v19  }
0x54: {  	v15 =	vmul.f32 v20, v15;
	v18 =	vld [tilespmem:s28+$0x170]  }
0x55: {  	v13 =	vmul.f32 v13, v21;
	[tilespmem:s29+$0x5120] =	vst v12;
	(erf) = vpow2.f32 v46  }
0x56: {  	v14 =	vmul.f32 v14, v21;
	v47 =	vld [tilespmem:s30+$0x140];
	[tilespmem:s29+$0x5130] =	vst v15;
	v49 =	vadd.f32 v24, v16;
	v50 =	vpop (erf)  }
0x57: {  	v11 =	vmul.f32 v11, v17;
	v48 =	vld [tilespmem:s30+$0x150];
	[tilespmem:s29+$0x5140] =	vst v13;
	v51 =	vbroadcast v50, $0x2  }
0x58: {  	v13 =	vld [tilespmem:s30+$0x160];
	[tilespmem:s29+$0x5150] =	vst v14;
	v52 =	vmul.f32 $2.000000030e-01, v49  }
0x59: {  	v53 =	vbroadcast v50, $0x0;
	[tilespmem:s29+$0x5160] =	vst v11;
	v54 =	vmul.f32 v18, v51  }
0x5a: {  	v55 =	vbroadcast v50, $0x1;
	[tilespmem:s28+$0x5100] =	vst v50;
	v14 =	vmax.f32 v49, v52  }
0x5b: {  	v6 =	vmul.f32 v53, v6;
	v14 =	vmul.f32 $1.442695020e+00, v14;
	[tilespmem:s28+$0x5170] =	vst v54  }
0x5c: {  	v4 =	vmul.f32 v53, v4;
	v11 =	vld [tilespmem:s26+$0x170]  }
0x5d: {  	v8 =	vmul.f32 v8, v55;
	[tilespmem:s28+$0x5120] =	vst v6;
	(erf) = vpow2.f32 v14  }
0x5e: {  	v2 =	vmul.f32 v2, v55;
	[tilespmem:s28+$0x5130] =	vst v4;
	v56 =	vpop (erf)  }
0x5f: {  	v57 =	vmul.f32 v7, v51;
	[tilespmem:s28+$0x5140] =	vst v8;
	v58 =	vbroadcast v56, $0x2  }
0x60: {  	[tilespmem:s28+$0x5150] =	vst v2;
	v2 =	vbroadcast v56, $0x0  }
0x61: {  	[tilespmem:s28+$0x5160] =	vst v57;
	v59 =	vmul.f32 v11, v58  }
0x62: {  	[tilespmem:s26+$0x5100] =	vst v56;
	v1 =	vmul.f32 v2, v1  }
0x63: {  	v4 =	vbroadcast v56, $0x1;
	v3 =	vmul.f32 v2, v3;
	[tilespmem:s26+$0x5170] =	vst v59  }
0x64: {  	v2 =	vld [tilespmem:s30+$0x170]  }
0x65: {  	v5 =	vmul.f32 v5, v4;
	[tilespmem:s26+$0x5120] =	vst v3  }
0x66: {  	v60 =	vmul.f32 v9, v58;
	[tilespmem:s26+$0x5130] =	vst v1;
	v1 =	vpop (erf)  }
0x67: {  	v3 =	vmul.f32 v10, v4;
	[tilespmem:s26+$0x5140] =	vst v5;
	v61 =	vbroadcast v1, $0x2  }
0x68: {  	[tilespmem:s26+$0x5160] =	vst v60;
	v62 =	vbroadcast v1, $0x0  }
0x69: {  	[tilespmem:s26+$0x5150] =	vst v3;
	v2 =	vmul.f32 v2, v61  }
0x6a: {  	v3 =	vbroadcast v1, $0x1;
	[tilespmem:s30+$0x5100] =	vst v1;
	v1 =	vmul.f32 v62, v22  }
0x6b: {  	v63 =	vmul.f32 v62, v25;
	[tilespmem:s30+$0x5170] =	vst v2  }
0x6c: {  	v2 =	vmul.f32 v47, v3;
	[tilespmem:s30+$0x5120] =	vst v1  }
0x6d: {  	v1 =	vmul.f32 v48, v3;
	[tilespmem:s30+$0x5130] =	vst v63  }
0x6e: {  	s25 =	sadd.s32 $0x1, s25;
	v3 =	vmul.f32 v13, v61;
	[tilespmem:s30+$0x5140] =	vst v2  }
0x6f: {  	p1 =	sne.s32 s25, $0x7D;
	[tilespmem:s30+$0x5150] =	vst v1  }
.Ltmp1:
0x70: {  	[tilespmem:s30+$0x5160] =	vst v3;
	(pc) =	sbr.rel @p1 .LBB2_2-.Ltmp1, $4  }
0x71: {  	[spmem:s3] =	stream.indirect.scatter.add.f32 [tilespmem:s24], [sflag:$0x1], $0x80, s20, s21, $0xb8;
	[tilespmem:$0x1B180] =	vst v63  }
0x72: {  	_ =	swait.ge [sflag:s19], $0x2800  }
0x73: {  	[sflag:s19] =	ssyncset.done $0x0  }
0x74: {  	[sflag:s19] =	ssyncadd.s32 $0xFFFFD800  }
0x75: {  	[bflag:$0x0] =	sbarrier.arrive $0xFFFF;
	s0 =	simm.s32 @p0 $0x1FC1;
	s25 =	simm.s32 @p0 $0x1  }
0x76: {  	[hbm:s12], [sflag:s0] =	dma.local @p0 [spmem:s16], $0x2080  }
0x77: {  	_ =	swait.ge @p0 [sflag:s25], $0x2080  }
0x78: {  	[sflag:s25] =	ssyncset.done @p0 $0x0  }
0x79: {  	[sflag:s25] =	ssyncadd.s32 @p0 $0xFFFFDF80  }
0x7a: {  	[bflag:$0x0] =	sbarrier.arrive @p0 $0xFFFF  }
0x7b: {  	[spmem:s16], [sflag:s0] =	dma.local @p0 [hbm:s10], $0x2080  }
0x7c: {  	_ =	swait.ge @p0 [sflag:s25], $0x2080  }
0x7d: {  	[sflag:s25] =	ssyncset.done @p0 $0x0  }
0x7e: {  	s0 =	simm.s32 @!p0 $0x1;
	[sflag:s25] =	ssyncadd.s32 @p0 $0xFFFFDF80  }
0x7f: {  	[hbm:s11], [sflag:s17] =	dma.local @!p0 [spmem:s18], $0x2780  }
0x80: {  	_ =	swait.ge @!p0 [sflag:s0], $0x2780  }
0x81: {  	[sflag:s0] =	ssyncset.done @!p0 $0x0  }
0x82: {  	[sflag:s0] =	ssyncadd.s32 @!p0 $0xFFFFD880  }
0x83: {  	[bflag:$0x0] =	sbarrier.arrive @!p0 $0xFFFF  }
0x84: {  	[spmem:s18], [sflag:s17] =	dma.local @!p0 [hbm:s9], $0x2780  }
0x85: {  	_ =	swait.ge @!p0 [sflag:s0], $0x2780  }
0x86: {  	[sflag:s0] =	ssyncset.done @!p0 $0x0  }
0x87: {  	[sflag:s0] =	ssyncadd.s32 @!p0 $0xFFFFD880  }
0x88: {  	s26 =	simm.s32 $0x0;
	s25 =	simm.s32 $0x0;
	[bflag:$0x0] =	sbarrier.arrive $0xFFFF  }
.LBB2_6:
0x89: {  	s0 =	smul.u32 $0x50, s26;
	_ =	sdelay $0x1  }
0x8a: {  	s0 =	sadd.s32 s8, s0  }
0x8b: {  	s0 =	sshrl.u32 s0, $0x3  }
0x8c: {  	s28 =	sadd.s32 s7, s0  }
0x8d: {  	[tilespmem:s25], [sflag:$0x1] =	stream.linear.gather [hbm4b:s28+s25], $0x50, $0x38;
	[tilespmem:$0x1B180] =	vst v63  }
0x8e: {  	_ =	swait.ge [sflag:s19], $0x50  }
0x8f: {  	[sflag:s19] =	ssyncset.done $0x0  }
0x90: {  	s0 =	sadd.s32 s2, s0;
	[sflag:s19] =	ssyncadd.s32 $0xFFFFFFB0  }
0x91: {  	[tilespmem:s20], [sflag:$0x1] =	stream.linear.gather [hbm4b:s0+s25], $0x50, $0x38;
	[tilespmem:$0x1B180] =	vst v63  }
0x92: {  	_ =	swait.ge [sflag:s19], $0x50  }
0x93: {  	[sflag:s19] =	ssyncset.done $0x0  }
0x94: {  	[sflag:s19] =	ssyncadd.s32 $0xFFFFFFB0  }
0x95: {  	[tilespmem:s22], [sflag:$0x1] =	stream.indirect.gather [hbm4b:s6+s21], $0x80, s25, s21, $0xb8;
	[tilespmem:$0x1B180] =	vst v63  }
0x96: {  	_ =	swait.ge [sflag:s19], $0x2800  }
0x97: {  	[sflag:s19] =	ssyncset.done $0x0  }
0x98: {  	[sflag:s19] =	ssyncadd.s32 $0xFFFFD800  }
0x99: {  	[tilespmem:s23], [sflag:$0x1] =	stream.indirect.gather [hbm4b:s6+s21], $0x80, s20, s21, $0xb8;
	[tilespmem:$0x1B180] =	vst v63  }
0x9a: {  	_ =	swait.ge [sflag:s19], $0x2800  }
0x9b: {  	[sflag:s19] =	ssyncset.done $0x0  }
0x9c: {  	s30 =	simm.s32 $0x0;
	[sflag:s19] =	ssyncadd.s32 $0xFFFFD800  }
0x9d: {  	v1 =	vld [tilespmem:s30+$0x100]  }
0x9e: {  	v2 =	vld [tilespmem:s30+$0x2910];
	_ =	sdelay $0x2  }
0x9f: {  	v12 =	vld [tilespmem:s30+$0x120]  }
0xa0: {  	v15 =	vld [tilespmem:s30+$0x130]  }
0xa1: {  	v13 =	vld [tilespmem:s30+$0x140];
	v1 =	vadd.f32 v2, v1  }
0xa2: {  	s29 =	simm.s32 $0x80;
	[tilespmem:s30+$0x5110] =	vst v0;
	v14 =	vld [tilespmem:s30+$0x150]  }
0xa3: {  	v3 =	vld [tilespmem:s29+$0x100];
	v2 =	vmul.f32 $2.000000030e-01, v1  }
0xa4: {  	v5 =	vld [tilespmem:s29+$0x2910]  }
0xa5: {  	s28 =	simm.s32 $0x100;
	v11 =	vld [tilespmem:s30+$0x160];
	[tilespmem:s29+$0x5110] =	vst v0;
	v1 =	vmax.f32 v1, v2  }
0xa6: {  	v9 =	vld [tilespmem:s28+$0x100];
	v1 =	vmul.f32 $1.442695020e+00, v1  }
0xa7: {  	v10 =	vld [tilespmem:s28+$0x2910]  }
0xa8: {  	v6 =	vld [tilespmem:s29+$0x120];
	(erf) = vpow2.f32 v1  }
0xa9: {  	v4 =	vld [tilespmem:s29+$0x130];
	v1 =	vadd.f32 v5, v3  }
0xaa: {  	v8 =	vld [tilespmem:s29+$0x140]  }
0xab: {  	v7 =	vld [tilespmem:s29+$0x160];
	v5 =	vmul.f32 $2.000000030e-01, v1  }
0xac: {  	v19 =	vadd.f32 v10, v9;
	v10 =	vld [tilespmem:s28+$0x150]  }
0xad: {  	v2 =	vld [tilespmem:s29+$0x150];
	[tilespmem:s28+$0x5110] =	vst v0;
	v5 =	vmax.f32 v1, v5  }
0xae: {  	v18 =	vld [tilespmem:s30+$0x170];
	v16 =	vmul.f32 $1.442695020e+00, v5  }
0xaf: {  	v3 =	vld [tilespmem:s28+$0x120]  }
0xb0: {  	v9 =	vld [tilespmem:s28+$0x160];
	(erf) = vpow2.f32 v16  }
0xb1: {  	v1 =	vld [tilespmem:s28+$0x130];
	v22 =	vpop (erf)  }
0xb2: {  	s31 =	simm.s32 $0x180;
	v5 =	vld [tilespmem:s28+$0x140];
	v20 =	vbroadcast v22, $0x3;
	v17 =	vbroadcast v22, $0x5  }
0xb3: {  	s0 =	simm.s32 $0x800;
	v23 =	vmul.f32 $2.000000030e-01, v19;
	v16 =	vld [tilespmem:s31+$0x100];
	v21 =	vbroadcast v22, $0x4  }
.LBB2_7:
0xb4: {  	p1 =	sne.s32 s0, $0x9E00;
	v24 =	vld [tilespmem:s31+$0x2910];
	[tilespmem:s30+$0x5100] =	vst v22;
	v22 =	vmul.f32 v20, v12;
	v18 =	vmul.f32 v18, v17;
	v12 =	vmovc v6;
	v6 =	vmov v3;
	s1 =	smov.u32 s28;
	s28 =	smov.u32 s31  }
0xb5: {  	v20 =	vmul.f32 v20, v15;
	[tilespmem:s28+$0x5110] =	vst v0;
	v3 =	vld [tilespmem:s28+$0x120];
	v19 =	vmax.f32 v19, v23;
	v23 =	vmul.f32 v13, v21  }
0xb6: {  	v15 =	vmovc v4;
	v4 =	vmovc v1;
	v21 =	vmul.f32 v14, v21;
	v13 =	vmov v8;
	v19 =	vmul.f32 $1.442695020e+00, v19;
	[tilespmem:s30+$0x5170] =	vst v18;
	v1 =	vld [tilespmem:s28+$0x130]  }
.Ltmp2:
0xb7: {  	v25 =	vmul.f32 v11, v17;
	v11 =	vmovc v7;
	v8 =	vmovc v5;
	v14 =	vmov v2;
	v2 =	vmov v10;
	v18 =	vld [tilespmem:s29+$0x170];
	[tilespmem:s30+$0x5120] =	vst v22;
	(pc) =	sbr.rel @p1 .LBB2_7-.Ltmp2, $4  }
0xb8: {  	v7 =	vmov v9;
	v5 =	vld [tilespmem:s28+$0x140];
	(erf) = vpow2.f32 v19;
	[tilespmem:s30+$0x5130] =	vst v20  }
0xb9: {  	v19 =	vadd.f32 v24, v16;
	v10 =	vld [tilespmem:s28+$0x150];
	v22 =	vpop (erf);
	[tilespmem:s30+$0x5140] =	vst v23  }
0xba: {  	s31 =	sshra.s32 s0, $0x2;
	v9 =	vld [tilespmem:s28+$0x160];
	v20 =	vbroadcast v22, $0x3;
	v17 =	vbroadcast v22, $0x5;
	[tilespmem:s30+$0x5150] =	vst v21  }
0xbb: {  	s0 =	sadd.s32 $0x200, s0;
	v21 =	vbroadcast v22, $0x4;
	v16 =	vld [tilespmem:s31+$0x100];
	v23 =	vmul.f32 $2.000000030e-01, v19;
	[tilespmem:s30+$0x5160] =	vst v25;
	s30 =	smov.u32 s29;
	s29 =	smov.u32 s1  }
0xbc: {  	v24 =	vld [tilespmem:s31+$0x2910];
	[tilespmem:s30+$0x5100] =	vst v22;
	v18 =	vmul.f32 v18, v17  }
0xbd: {  	[tilespmem:s31+$0x5110] =	vst v0;
	v22 =	vld [tilespmem:s31+$0x120];
	v19 =	vmax.f32 v19, v23  }
0xbe: {  	v12 =	vmul.f32 v20, v12;
	v25 =	vld [tilespmem:s31+$0x130];
	[tilespmem:s30+$0x5170] =	vst v18;
	v46 =	vmul.f32 $1.442695020e+00, v19  }
0xbf: {  	v15 =	vmul.f32 v20, v15;
	v18 =	vld [tilespmem:s29+$0x170]  }
0xc0: {  	v13 =	vmul.f32 v13, v21;
	[tilespmem:s30+$0x5120] =	vst v12;
	(erf) = vpow2.f32 v46  }
0xc1: {  	v14 =	vmul.f32 v14, v21;
	v47 =	vld [tilespmem:s31+$0x140];
	[tilespmem:s30+$0x5130] =	vst v15;
	v49 =	vadd.f32 v24, v16;
	v50 =	vpop (erf)  }
0xc2: {  	v11 =	vmul.f32 v11, v17;
	v48 =	vld [tilespmem:s31+$0x150];
	[tilespmem:s30+$0x5140] =	vst v13;
	v51 =	vbroadcast v50, $0x5  }
0xc3: {  	v13 =	vld [tilespmem:s31+$0x160];
	[tilespmem:s30+$0x5150] =	vst v14;
	v52 =	vmul.f32 $2.000000030e-01, v49  }
0xc4: {  	v53 =	vbroadcast v50, $0x3;
	[tilespmem:s30+$0x5160] =	vst v11;
	v54 =	vmul.f32 v18, v51  }
0xc5: {  	v55 =	vbroadcast v50, $0x4;
	[tilespmem:s29+$0x5100] =	vst v50;
	v14 =	vmax.f32 v49, v52  }
0xc6: {  	v6 =	vmul.f32 v53, v6;
	v14 =	vmul.f32 $1.442695020e+00, v14;
	[tilespmem:s29+$0x5170] =	vst v54  }
0xc7: {  	v4 =	vmul.f32 v53, v4;
	v11 =	vld [tilespmem:s28+$0x170]  }
0xc8: {  	v8 =	vmul.f32 v8, v55;
	[tilespmem:s29+$0x5120] =	vst v6;
	(erf) = vpow2.f32 v14  }
0xc9: {  	v2 =	vmul.f32 v2, v55;
	[tilespmem:s29+$0x5130] =	vst v4;
	v56 =	vpop (erf)  }
0xca: {  	v57 =	vmul.f32 v7, v51;
	[tilespmem:s29+$0x5140] =	vst v8;
	v58 =	vbroadcast v56, $0x5  }
0xcb: {  	[tilespmem:s29+$0x5150] =	vst v2;
	v2 =	vbroadcast v56, $0x3  }
0xcc: {  	[tilespmem:s29+$0x5160] =	vst v57;
	v59 =	vmul.f32 v11, v58  }
0xcd: {  	[tilespmem:s28+$0x5100] =	vst v56;
	v1 =	vmul.f32 v2, v1  }
0xce: {  	v4 =	vbroadcast v56, $0x4;
	v3 =	vmul.f32 v2, v3;
	[tilespmem:s28+$0x5170] =	vst v59  }
0xcf: {  	v2 =	vld [tilespmem:s31+$0x170]  }
0xd0: {  	v5 =	vmul.f32 v5, v4;
	[tilespmem:s28+$0x5120] =	vst v3  }
0xd1: {  	v60 =	vmul.f32 v9, v58;
	[tilespmem:s28+$0x5130] =	vst v1;
	v1 =	vpop (erf)  }
0xd2: {  	v3 =	vmul.f32 v10, v4;
	[tilespmem:s28+$0x5140] =	vst v5;
	v61 =	vbroadcast v1, $0x5  }
0xd3: {  	[tilespmem:s28+$0x5160] =	vst v60;
	v62 =	vbroadcast v1, $0x3  }
0xd4: {  	[tilespmem:s28+$0x5150] =	vst v3;
	v2 =	vmul.f32 v2, v61  }
0xd5: {  	v3 =	vbroadcast v1, $0x4;
	[tilespmem:s31+$0x5100] =	vst v1;
	v1 =	vmul.f32 v62, v22  }
0xd6: {  	v63 =	vmul.f32 v62, v25;
	[tilespmem:s31+$0x5170] =	vst v2  }
0xd7: {  	v2 =	vmul.f32 v47, v3;
	[tilespmem:s31+$0x5120] =	vst v1  }
0xd8: {  	v1 =	vmul.f32 v48, v3;
	[tilespmem:s31+$0x5130] =	vst v63  }
0xd9: {  	s26 =	sadd.s32 $0x1, s26;
	v3 =	vmul.f32 v13, v61;
	[tilespmem:s31+$0x5140] =	vst v2  }
0xda: {  	p1 =	sne.s32 s26, $0x7D;
	[tilespmem:s31+$0x5150] =	vst v1  }
.Ltmp3:
0xdb: {  	[tilespmem:s31+$0x5160] =	vst v3;
	(pc) =	sbr.rel @p1 .LBB2_6-.Ltmp3, $4  }
0xdc: {  	[spmem:s3] =	stream.indirect.scatter.add.f32 [tilespmem:s24], [sflag:$0x1], $0x80, s20, s21, $0xb8;
	[tilespmem:$0x1B180] =	vst v63  }
0xdd: {  	_ =	swait.ge [sflag:s19], $0x2800  }
0xde: {  	[sflag:s19] =	ssyncset.done $0x0  }
0xdf: {  	[sflag:s19] =	ssyncadd.s32 $0xFFFFD800  }
0xe0: {  	[bflag:$0x0] =	sbarrier.arrive $0xFFFF;
	s0 =	simm.s32 @p0 $0x1FC1  }
0xe1: {  	[hbm:s14], [sflag:s0] =	dma.local @p0 [spmem:s16], $0x2080  }
0xe2: {  	s0 =	simm.s32 @p0 $0x1  }
0xe3: {  	_ =	swait.ge @p0 [sflag:s0], $0x2080  }
0xe4: {  	s4 =	sadd.s32 $0x1, s4;
	[sflag:s0] =	ssyncset.done @p0 $0x0  }
0xe5: {  	p1 =	sne.s32 s4, s15;
	[sflag:s0] =	ssyncadd.s32 @p0 $0xFFFFDF80;
	s0 =	simm.s32 @!p0 $0x1  }
0xe6: {  	[hbm:s13], [sflag:s17] =	dma.local @!p0 [spmem:s18], $0x2780  }
.Ltmp4:
0xe7: {  	_ =	swait.ge @!p0 [sflag:s0], $0x2780;
	(pc) =	sbr.rel @p1 .LBB2_1-.Ltmp4, $3  }
0xe8: {  	[sflag:s0] =	ssyncset.done @!p0 $0x0  }
0xe9: {  	[sflag:s0] =	ssyncadd.s32 @!p0 $0xFFFFD880  }
0xea: {  	[bflag:$0x0] =	sbarrier.arrive $0xFFFF;
	_ =	sdelay $0x1  }
0xeb: {  	_ =	sfence.sel $0x180000  }
0xec: {  	[bflag:$0x0] =	sbarrier.arrive $0xFFFF  }
0xed: {  	_ =	strace $0x90000047  }
0xee: {  	s0 =	stileid.u32;
	[bflag:$0x2] =	sbarrier.arrive $0xFFFF  }
0xef: {  	p0 =	sne.s32 s0, $0x0;
	s0 =	rddreg [dreg:$0x3]  }
0xf0: {  	s0 =	sadd.s32 @!p0 $0x100000, s0  }
0xf1: {  	[sflag:s0] =	ssyncadd.tile.s32 @!p0 $0x1;
	_ =	shalt  }
.Lfunc_end2:
_tile_overlayer_lowered:
.L_overlay_start_2:
0xf2: {  	(tag) =	ssettag $0x2  }
0xf3: {  	s0 =	rddreg [dreg:$0x0];
	s2 =	stileid.u32  }
0xf4: {  	s1 =	rddreg [dreg:$0x1];
	p0 =	sne.s32 s2, $0x0  }
0xf5: {  	s3 =	rddreg [dreg:$0x2];
	[bflag:$0x3] =	sbarrier.arrive $0xFFFF;
	s2 =	simm.s32 @!p0 $0x1C01  }
0xf6: {  	[timem:s3], [sflag:s2] =	dma.local @!p0 [hbm:s0], s1  }
0xf7: {  	s0 =	simm.s32 @!p0 $0x1  }
0xf8: {  	_ =	swait.ge @!p0 [sflag:s0], s1  }
0xf9: {  	s1 =	ssub.s32 @!p0 $0x0, s1;
	[sflag:s0] =	ssyncset.done @!p0 $0x0  }
0xfa: {  	[sflag:s0] =	ssyncadd.s32 @!p0 s1  }
0xfb: {  	[bflag:$0x3] =	sbarrier.arrive $0xFFFF  }
0xfc: {  	_ =	shalt  }

</sc_bundles>
